<compile_context>
chip_gen: v7x
topology: tpu7x:2x2x1
jax: 0.10.2.dev20260603
libtpu: 0.0.44.dev20260713+nightly
codegen_flags: <defaults>
</compile_context>

<pallas_src>
import functools

import numpy as np
import jax
import jax.numpy as jnp
from jax import lax
from jax.experimental import pallas as pl
from jax.experimental.pallas import tpu as pltpu
from jax.experimental.pallas import tpu_sc as plsc

_N = 10000
_E = 320000
_D = 128
_R2 = 200
_NPAD = 10240
_EC = 8000
_NC_CH = 1000
_SC_CH = 80


def _dft_consts():
    n = np.arange(_D)
    k = np.arange(65)
    ang_nk = 2.0 * np.pi * np.outer(n, k) / _D
    cos_nk = np.cos(ang_nk)
    sin_nk = np.sin(ang_nk)
    dft2 = np.zeros((_D, 2 * _D), np.float64)
    dft2[:, :65] = cos_nk
    dft2[:, 65:128] = -sin_nk[:, 1:64]
    dft2[:, 128:193] = -sin_nk
    dft2[:, 193:] = cos_nk[:, 1:64]
    ang_kn = ang_nk.T
    c = np.where((k == 0) | (k == 64), 1.0, 2.0)[:, None] / _D
    ga = np.zeros((_D, _D), np.float64)
    ga[:65] = c * np.cos(ang_kn)
    ga[65:] = (2.0 / _D) * np.cos(ang_kn[1:64])
    gb = np.zeros((_D, _D), np.float64)
    gb[:65] = -(2.0 / _D) * np.sin(ang_kn)
    gb[65:] = (2.0 / _D) * np.sin(ang_kn[1:64])
    return (dft2.astype(np.float32), ga.astype(np.float32),
            gb.astype(np.float32))


_DFT2, _GA, _GB = _dft_consts()


def _prep_body(x_ref, rel_ref, lr_ref, win_ref, wout_ref, wl_ref, wr_ref,
               dft2_ref, ga_ref, gb_ref,
               fx_ref, frel2_ref, wmsg_ref, wle_ref, relout_ref):
    f32 = jnp.float32
    fx_ref[...] = jnp.dot(x_ref[...], dft2_ref[:, :_D],
                          preferred_element_type=f32)

    @pl.when(pl.program_id(0) == 0)
    def _():
        ga = ga_ref[...]
        gb = gb_ref[...]
        frel2_ref[...] = jnp.dot(
            rel_ref[...], dft2_ref[...],
            preferred_element_type=f32).astype(jnp.bfloat16)
        wmsg_ref[0, :_D] = jnp.dot(
            ga, win_ref[...], preferred_element_type=f32).astype(jnp.bfloat16)
        wmsg_ref[0, _D:] = jnp.dot(
            gb, win_ref[...], preferred_element_type=f32).astype(jnp.bfloat16)
        wmsg_ref[1, :_D] = jnp.dot(
            ga, wout_ref[...],
            preferred_element_type=f32).astype(jnp.bfloat16)
        wmsg_ref[1, _D:] = jnp.dot(
            gb, wout_ref[...],
            preferred_element_type=f32).astype(jnp.bfloat16)
        bl2 = jnp.dot(lr_ref[...], dft2_ref[...], preferred_element_type=f32)
        gaw = jnp.dot(ga, wl_ref[...], preferred_element_type=f32)
        gbw = jnp.dot(gb, wl_ref[...], preferred_element_type=f32)
        wle_ref[...] = (bl2[0, :_D, None] * gaw + bl2[0, _D:, None] * gbw)
        relout_ref[...] = jnp.dot(rel_ref[...], wr_ref[...],
                                  preferred_element_type=f32)


def _tc_prep(x, rel, loop_rel, w_in, w_out, w_loop, w_rel, dft2, ga, gb):
    zero2 = lambda i: (0, 0)
    zero3 = lambda i: (0, 0, 0)
    return pl.pallas_call(
        _prep_body,
        grid=(_N // _NC_CH,),
        in_specs=[
            pl.BlockSpec((_NC_CH, _D), lambda i: (i, 0)),
            pl.BlockSpec((_R2, _D), zero2),
            pl.BlockSpec((1, _D), zero2),
            pl.BlockSpec((_D, _D), zero2),
            pl.BlockSpec((_D, _D), zero2),
            pl.BlockSpec((_D, _D), zero2),
            pl.BlockSpec((_D, _D), zero2),
            pl.BlockSpec((_D, 2 * _D), zero2),
            pl.BlockSpec((_D, _D), zero2),
            pl.BlockSpec((_D, _D), zero2),
        ],
        out_specs=[
            pl.BlockSpec((_NC_CH, _D), lambda i: (i, 0)),
            pl.BlockSpec((_R2, 2 * _D), zero2),
            pl.BlockSpec((2, 2 * _D, _D), zero3),
            pl.BlockSpec((_D, _D), zero2),
            pl.BlockSpec((_R2, _D), zero2),
        ],
        out_shape=[
            jax.ShapeDtypeStruct((_N, _D), jnp.float32),
            jax.ShapeDtypeStruct((_R2, 2 * _D), jnp.bfloat16),
            jax.ShapeDtypeStruct((2, 2 * _D, _D), jnp.bfloat16),
            jax.ShapeDtypeStruct((_D, _D), jnp.float32),
            jax.ShapeDtypeStruct((_R2, _D), jnp.float32),
        ],
    )(x, rel, loop_rel, w_in, w_out, w_loop, w_rel, dft2, ga, gb)


def _sc_gather(table, idx2d):
    mesh = plsc.VectorSubcoreMesh(core_axis_name="c", subcore_axis_name="s")
    nc, ns = mesh.num_cores, mesh.num_subcores
    per_w = _E // (nc * ns)
    iters = per_w // _SC_CH

    assert iters % 2 == 1 and iters >= 3
    pairs = (iters - 1) // 2

    @functools.partial(
        pl.kernel,
        out_type=jax.ShapeDtypeStruct((_E, _D), jnp.float32),
        mesh=mesh,
        scratch_types=[
            pltpu.VMEM((iters, _SC_CH), jnp.int32),
            pltpu.VMEM((_SC_CH, _D), jnp.float32),
            pltpu.VMEM((_SC_CH, _D), jnp.float32),
            pltpu.SemaphoreType.DMA,
            pltpu.SemaphoreType.DMA,
        ],
    )
    def gk(table_hbm, idx_hbm, out_hbm, idx_v, rows0, rows1, sem0, sem1):
        c = lax.axis_index("c")
        s = lax.axis_index("s")
        wid = s * nc + c
        base = wid * per_w
        pltpu.sync_copy(idx_hbm.at[wid], idx_v)

        def fire(i, rows, sem):
            pltpu.async_copy(table_hbm.at[idx_v.at[i]], rows, sem)

        def drain(i, rows, sem):
            pltpu.make_async_copy(table_hbm.at[idx_v.at[i]], rows,
                                  sem).wait()
            pltpu.sync_copy(rows,
                            out_hbm.at[pl.ds(base + i * _SC_CH, _SC_CH)])

        fire(0, rows0, sem0)

        def body(j, carry):
            fire(2 * j + 1, rows1, sem1)
            drain(2 * j, rows0, sem0)
            fire(2 * j + 2, rows0, sem0)
            drain(2 * j + 1, rows1, sem1)
            return carry

        lax.fori_loop(0, pairs, body, 0)
        drain(iters - 1, rows0, sem0)

    return gk(table, idx2d)


def _msg_body(z_ref, et_ref, nrm_ref, frel_ref, w_ref, o_ref):
    f32 = jnp.float32
    et_row = et_ref[0]
    nrm_row = nrm_ref[0]
    iota_r = lax.broadcasted_iota(jnp.int32, (_R2, _EC), 0)
    et_b = jnp.broadcast_to(et_row, (_R2, _EC))
    nrm_b = jnp.broadcast_to(nrm_row, (_R2, _EC))
    oh_t = jnp.where(et_b == iota_r, nrm_b,
                     jnp.float32(0)).astype(jnp.bfloat16)
    b2 = lax.dot_general(oh_t, frel_ref[...],
                         (((0,), (0,)), ((), ())),
                         preferred_element_type=f32)
    a = z_ref[...]
    p = (a * b2[:, :_D]).astype(jnp.bfloat16)
    q = (a * b2[:, _D:]).astype(jnp.bfloat16)
    pq = jnp.concatenate([p, q], axis=1)
    o_ref[...] = jnp.dot(pq, w_ref[0], preferred_element_type=f32)


def _tc_msg(zsrc, edge_type3, norm3, frel2, wmsg):
    nblk = _E // _EC
    half_blk = nblk // 2
    return pl.pallas_call(
        _msg_body,
        grid=(nblk,),
        in_specs=[
            pl.BlockSpec((_EC, _D), lambda i: (i, 0)),
            pl.BlockSpec((1, 1, _EC), lambda i: (i, 0, 0)),
            pl.BlockSpec((1, 1, _EC), lambda i: (i, 0, 0)),
            pl.BlockSpec((_R2, 2 * _D), lambda i: (0, 0)),
            pl.BlockSpec((1, 2 * _D, _D), lambda i: (i // half_blk, 0, 0)),
        ],
        out_specs=pl.BlockSpec((_EC, _D), lambda i: (i, 0)),
        out_shape=jax.ShapeDtypeStruct((_E, _D), jnp.float32),
    )(zsrc, edge_type3, norm3, frel2, wmsg)


def _sc_scatter(msg, dst):
    mesh = plsc.VectorSubcoreMesh(core_axis_name="c", subcore_axis_name="s")
    nc, ns = mesh.num_cores, mesh.num_subcores
    per_w = _E // (nc * ns)
    iters = per_w // _SC_CH
    rows_s = _NPAD // ns
    zreps = rows_s // _SC_CH

    assert iters % 2 == 1 and iters >= 3
    pairs = (iters - 1) // 2

    @functools.partial(
        pl.kernel,
        out_type=jax.ShapeDtypeStruct((nc, _NPAD, _D), jnp.float32),
        mesh=mesh,
        scratch_types=[
            pltpu.VMEM((iters, _SC_CH), jnp.int32),
            pltpu.VMEM((_SC_CH, _D), jnp.float32),
            pltpu.VMEM((_SC_CH, _D), jnp.float32),
            pltpu.VMEM_SHARED((_NPAD, _D), jnp.float32),
            pltpu.SemaphoreType.DMA,
            pltpu.SemaphoreType.DMA,
        ],
    )
    def sk(msg_hbm, dst_hbm, out_hbm, idx_v, rows0, rows1, acc_sh,
           sem0, sem1):
        c = lax.axis_index("c")
        s = lax.axis_index("s")
        wid = s * nc + c
        base = wid * per_w
        pltpu.sync_copy(dst_hbm.at[wid], idx_v)

        def zb(i, carry):
            rows0[i // 8, pl.ds((i % 8) * 16, 16)] = jnp.zeros((16,),
                                                               jnp.float32)
            return carry

        lax.fori_loop(0, _SC_CH * 8, zb, 0)

        def zs(j, carry):
            pltpu.sync_copy(
                rows0,
                acc_sh.at[pl.ds(s * rows_s + j * _SC_CH, _SC_CH)])
            return carry

        lax.fori_loop(0, zreps, zs, 0)
        plsc.subcore_barrier()

        def fire(i, rows, sem):
            pltpu.async_copy(msg_hbm.at[pl.ds(base + i * _SC_CH, _SC_CH)],
                             rows, sem)

        def drain(i, rows, sem):
            pltpu.make_async_copy(msg_hbm.at[pl.ds(base + i * _SC_CH,
                                                   _SC_CH)], rows,
                                  sem).wait()
            pltpu.sync_copy(rows, acc_sh.at[idx_v.at[i]], add=True)

        fire(0, rows0, sem0)

        def body(j, carry):
            fire(2 * j + 1, rows1, sem1)
            drain(2 * j, rows0, sem0)
            fire(2 * j + 2, rows0, sem0)
            drain(2 * j + 1, rows1, sem1)
            return carry

        lax.fori_loop(0, pairs, body, 0)
        drain(iters - 1, rows0, sem0)
        plsc.subcore_barrier()
        pltpu.sync_copy(acc_sh.at[pl.ds(s * rows_s, rows_s)],
                        out_hbm.at[c, pl.ds(s * rows_s, rows_s)])

    return sk(msg, dst)


_NB = _N // _NC_CH


def _fin_body(p_ref, fx_ref, wl_ref, b_ref, g_ref, bt_ref, o_ref,
              t_ref, st_ref):
    i = pl.program_id(0)

    @pl.when(i < _NB)
    def _():
        lm = jnp.dot(fx_ref[...], wl_ref[...],
                     preferred_element_type=jnp.float32)
        tt = ((p_ref[0] + p_ref[1] + lm) * jnp.float32(1.0 / 3.0)
              + b_ref[...])
        blk = lax.rem(i, _NB)
        t_ref[pl.ds(blk * _NC_CH, _NC_CH), :] = tt
        s1 = jnp.sum(tt, axis=0, keepdims=True)
        s2 = jnp.sum(tt * tt, axis=0, keepdims=True)
        upd = jnp.concatenate([s1, s2, jnp.zeros((6, _D), jnp.float32)],
                              axis=0)

        @pl.when(i == 0)
        def _():
            st_ref[...] = jnp.zeros((8, _D), jnp.float32)

        st_ref[...] += upd

    @pl.when(i >= _NB)
    def _():
        inv_n = jnp.float32(1.0 / _N)
        mean = st_ref[0:1] * inv_n
        var = st_ref[1:2] * inv_n - mean * mean
        inv = lax.rsqrt(var + jnp.float32(1e-5))
        blk = lax.rem(i, _NB)
        tt = t_ref[pl.ds(blk * _NC_CH, _NC_CH), :]
        o_ref[...] = jnp.tanh((tt - mean) * inv * g_ref[...] + bt_ref[...])


def _tc_finish(partials, fx, wloop_eff, bias, gamma, beta):
    mod = lambda i: (lax.rem(i, _NB), 0)
    zero2 = lambda i: (0, 0)
    return pl.pallas_call(
        _fin_body,
        grid=(2 * _NB,),
        in_specs=[
            pl.BlockSpec((2, _NC_CH, _D), lambda i: (0, lax.rem(i, _NB), 0)),
            pl.BlockSpec((_NC_CH, _D), mod),
            pl.BlockSpec((_D, _D), zero2),
            pl.BlockSpec((1, _D), zero2),
            pl.BlockSpec((1, _D), zero2),
            pl.BlockSpec((1, _D), zero2),
        ],
        out_specs=pl.BlockSpec((_NC_CH, _D), mod),
        out_shape=jax.ShapeDtypeStruct((_N, _D), jnp.float32),
        scratch_shapes=[
            pltpu.VMEM((_N, _D), jnp.float32),
            pltpu.VMEM((8, _D), jnp.float32),
        ],
    )(partials, fx, wloop_eff, bias, gamma, beta)


def kernel(x, edge_index, edge_type, norm, rel_embeds, w_loop, w_in, w_out,
           w_rel, loop_rel, w_bias, bn_gamma, bn_beta):
    src = edge_index[0]
    dst = edge_index[1]
    dft2 = jnp.asarray(_DFT2)
    dftc = dft2[:, :_D]
    ga = jnp.asarray(_GA)
    gb = jnp.asarray(_GB)

    fx, frel2, wmsg, wloop_eff, rel_out = _tc_prep(
        x, rel_embeds, loop_rel, w_in, w_out, w_loop, w_rel, dft2, ga, gb)
    nw = _E // (_SC_CH * 125)
    zsrc = _sc_gather(fx, src.reshape(nw, 125, _SC_CH))
    nblk = _E // _EC
    msg = _tc_msg(zsrc, edge_type.reshape(nblk, 1, _EC),
                  norm.reshape(nblk, 1, _EC), frel2, wmsg)
    partials = _sc_scatter(msg, dst.reshape(nw, 125, _SC_CH))
    node_repr = _tc_finish(partials, fx, wloop_eff, w_bias.reshape(1, _D),
                           bn_gamma.reshape(1, _D), bn_beta.reshape(1, _D))
    return node_repr, rel_out

# --- scband reference (transcript-rebuilt; emitter-appended) ---
"""Pipeline reference for scband-comp-gcnlayer-85813446574485 (READ-ONLY COPY).

The authoritative reference and input builder live on the scoring server;
editing this copy changes nothing except your own understanding.
"""

import jax, jax.numpy as jnp
import numpy as np

N = 10000
E = 320000
D_IN = 128
D_OUT = 128
R2 = 200  # rel_num * 2


def ccorr(a, b):
    # circular correlation: irfft(conj(rfft(a)) * rfft(b))
    fa = jnp.fft.rfft(a, axis=-1)
    fb = jnp.fft.rfft(b, axis=-1)
    return jnp.fft.irfft(jnp.conj(fa) * fb, n=a.shape[-1], axis=-1)


def xavier_normal(key, shape, gain=1.4142135623730951):
    fan_in, fan_out = shape[0], shape[1]
    std = gain * (2.0 / (fan_in + fan_out)) ** 0.5
    return (std * jax.random.normal(key, shape)).astype(jnp.float32)


def setup_inputs(seed: int = 0) -> dict:
    key = jax.random.key(seed)
    ks = jax.random.split(key, 12)
    x = jax.random.normal(ks[0], (N, D_IN), dtype=jnp.float32)
    edge_index = jax.random.randint(ks[1], (2, E), 0, N, dtype=jnp.int32)
    edge_type = jax.random.randint(ks[2], (E,), 0, R2, dtype=jnp.int32)
    norm = jax.random.uniform(ks[3], (E,), dtype=jnp.float32)
    rel_embeds = jax.random.normal(ks[4], (R2, D_IN), dtype=jnp.float32)
    w_loop = xavier_normal(ks[5], (D_IN, D_OUT))
    w_in = xavier_normal(ks[6], (D_IN, D_OUT))
    w_out = xavier_normal(ks[7], (D_IN, D_OUT))
    w_rel = xavier_normal(ks[8], (D_IN, D_OUT))
    loop_rel = xavier_normal(ks[9], (1, D_IN))
    w_bias = jnp.zeros((D_OUT,), dtype=jnp.float32)
    bn_gamma = jnp.ones((D_OUT,), dtype=jnp.float32)
    bn_beta = jnp.zeros((D_OUT,), dtype=jnp.float32)
    return {
        "x": x, "edge_index": edge_index, "edge_type": edge_type, "norm": norm,
        "rel_embeds": rel_embeds, "w_loop": w_loop, "w_in": w_in, "w_out": w_out,
        "w_rel": w_rel, "loop_rel": loop_rel, "w_bias": w_bias,
        "bn_gamma": bn_gamma, "bn_beta": bn_beta,
    }


def reference(x, edge_index, edge_type, norm, rel_embeds, w_loop, w_in, w_out,
              w_rel, loop_rel, w_bias, bn_gamma, bn_beta):
    # base_num == 0 -> rel = rel_embeds directly
    rel = rel_embeds
    src = edge_index[0]
    dst = edge_index[1]
    # message: ccorr(src features, relation embedding per edge)
    edge_data = ccorr(x[src], rel[edge_type])
    half = edge_data.shape[0] // 2
    msg = jnp.concatenate([edge_data[:half] @ w_in, edge_data[half:] @ w_out], axis=0)
    msg = msg * norm[:, None]
    # sum-reduce messages onto destination nodes (fn.sum)
    agg = jnp.zeros((x.shape[0], w_in.shape[1]), dtype=msg.dtype).at[dst].add(msg)
    # self-loop message
    loop_msg = ccorr(x, loop_rel) @ w_loop
    node_repr = (agg + loop_msg) / 3.0
    node_repr = node_repr + w_bias
    # BatchNorm1d (training-mode batch stats, eps=1e-5)
    mean = jnp.mean(node_repr, axis=0)
    var = jnp.var(node_repr, axis=0)
    node_repr = (node_repr - mean) / jnp.sqrt(var + 1e-5) * bn_gamma + bn_beta
    node_repr = jnp.tanh(node_repr)
    return (node_repr, rel @ w_rel)

if __name__ == "__main__":
    import jax
    _d = setup_inputs()
    print(jax.jit(kernel)(*tuple(_d.values())))

</pallas_src>

<mosaic_0001>
#map = affine_map<(d0, d1) -> (0, 0)>
#map1 = affine_map<(d0, d1) -> (0, 0, 0)>
module attributes {stable_mosaic.version = 14 : i64} {
  func.func @sk(%arg0: i32, %arg1: i32, %arg2: memref<320000x128xf32, #tpu.memory_space<hbm>>, %arg3: memref<32x125x80xi32, #tpu.memory_space<hbm>>, %arg4: memref<2x10240x128xf32, #tpu.memory_space<hbm>>, %arg5: memref<125x80xi32, #tpu.memory_space<vmem>>, %arg6: memref<80x128xf32, #tpu.memory_space<vmem>>, %arg7: memref<80x128xf32, #tpu.memory_space<vmem>>, %arg8: memref<10240x128xf32, #tpu.memory_space<vmem_shared>>, %arg9: memref<!tpu.dma_semaphore, #tpu.memory_space<semaphore_mem>>, %arg10: memref<!tpu.dma_semaphore, #tpu.memory_space<semaphore_mem>>) attributes {dimension_semantics = [#tpu.dimension_semantics<core_parallel>, #tpu.dimension_semantics<subcore_parallel>], iteration_bounds = array<i64: 2, 16>, scalar_prefetch = 0 : i64, scratch_operands = 6 : i64, tpu.core_type = #tpu.core_type<sc_vector_subcore>, window_params = [{transform_indices = #map}, {transform_indices = #map1}, {transform_indices = #map1}]} {
    %mul3A = arith.constant 2 : i32
    %mul3A_0 = arith.muli %arg1, %mul3A : i32
    %add3A = arith.addi %mul3A_0, %arg0 : i32
    %mul3A_1 = arith.constant 10000 : i32
    %mul3A_2 = arith.muli %add3A, %mul3A_1 : i32
    "tpu.region"() ({
      %run_scoped3A_35 = tpu.sem_alloc : memref<!tpu.dma_semaphore, #tpu.memory_space<semaphore_mem>>
      %dma_start3A_36 = arith.constant 0 : i32
      %dma_start3A_37 = arith.constant 0 : i32
      %dma_start3A_38 = tpu.memref_slice %arg3[%add3A, %dma_start3A_36, %dma_start3A_37] : memref<32x125x80xi32, #tpu.memory_space<hbm>> -> memref<1x125x80xi32, #tpu.memory_space<hbm>>
      %dma_start3A_39 = tpu.memref_squeeze %dma_start3A_38 : memref<1x125x80xi32, #tpu.memory_space<hbm>> -> memref<125x80xi32, #tpu.memory_space<hbm>>
      %dma_start3A_40 = arith.constant 0 : i32
      %dma_start3A_41 = arith.constant 0 : i32
      %dma_start3A_42 = tpu.memref_slice %arg3[%add3A, %dma_start3A_40, %dma_start3A_41] : memref<32x125x80xi32, #tpu.memory_space<hbm>> -> memref<1x125x80xi32, #tpu.memory_space<hbm>>
      %dma_start3A_43 = tpu.memref_squeeze %dma_start3A_42 : memref<1x125x80xi32, #tpu.memory_space<hbm>> -> memref<125x80xi32, #tpu.memory_space<hbm>>
      tpu.enqueue_dma source(%dma_start3A_43 : memref<125x80xi32, #tpu.memory_space<hbm>>) target(%arg5 : memref<125x80xi32, #tpu.memory_space<vmem>>) target_semaphore(%run_scoped3A_35 : memref<!tpu.dma_semaphore, #tpu.memory_space<semaphore_mem>>)
      %dma_wait3A_44 = arith.constant 0 : i32
      %dma_wait3A_45 = arith.constant 0 : i32
      %dma_wait3A_46 = tpu.memref_slice %arg3[%add3A, %dma_wait3A_44, %dma_wait3A_45] : memref<32x125x80xi32, #tpu.memory_space<hbm>> -> memref<1x125x80xi32, #tpu.memory_space<hbm>>
      %dma_wait3A_47 = tpu.memref_squeeze %dma_wait3A_46 : memref<1x125x80xi32, #tpu.memory_space<hbm>> -> memref<125x80xi32, #tpu.memory_space<hbm>>
      %dma_wait3A_48 = arith.constant 0 : i32
      %dma_wait3A_49 = arith.constant 0 : i32
      %dma_wait3A_50 = tpu.memref_slice %arg3[%add3A, %dma_wait3A_48, %dma_wait3A_49] : memref<32x125x80xi32, #tpu.memory_space<hbm>> -> memref<1x125x80xi32, #tpu.memory_space<hbm>>
      %dma_wait3A_51 = tpu.memref_squeeze %dma_wait3A_50 : memref<1x125x80xi32, #tpu.memory_space<hbm>> -> memref<125x80xi32, #tpu.memory_space<hbm>>
      tpu.wait_dma2 semaphore(%run_scoped3A_35 : memref<!tpu.dma_semaphore, #tpu.memory_space<semaphore_mem>>) src(%dma_wait3A_51 : memref<125x80xi32, #tpu.memory_space<hbm>>) dst(%arg5 : memref<125x80xi32, #tpu.memory_space<vmem>>)
      tpu.yield
    }) : () -> ()
    %scan3A = arith.constant 0 : i32
    %scan3A_3 = arith.constant 0 : i32
    %scan3A_4 = arith.constant 640 : i32
    %scan3A_5 = arith.addi %scan3A_3, %scan3A_4 : i32
    %scan3A_6 = arith.constant 1 : i32
    scf.for %scan3A_35 = %scan3A_3 to %scan3A_5 step %scan3A_6  : i32 {
      %broadcast_in_dim3A = arith.constant 0.000000e+00 : f32
      %broadcast_in_dim3A_36 = vector.broadcast %broadcast_in_dim3A : f32 to vector<16xf32>
      %jit3A = arith.constant 8 : i32
      %div3A = arith.divsi %scan3A_35, %jit3A : i32
      %sign3A = arith.constant 0 : i32
      %sign3A_37 = arith.cmpi sgt, %scan3A_35, %sign3A : i32
      %sign3A_38 = arith.extui %sign3A_37 : i1 to i32
      %sign3A_39 = arith.constant 0 : i32
      %sign3A_40 = arith.cmpi slt, %scan3A_35, %sign3A_39 : i32
      %sign3A_41 = arith.extui %sign3A_40 : i1 to i32
      %sign3A_42 = arith.subi %sign3A_38, %sign3A_41 : i32
      %sign3A_43 = arith.constant 0 : i32
      %sign3A_44 = arith.cmpi sgt, %jit3A, %sign3A_43 : i32
      %sign3A_45 = arith.extui %sign3A_44 : i1 to i32
      %sign3A_46 = arith.constant 0 : i32
      %sign3A_47 = arith.cmpi slt, %jit3A, %sign3A_46 : i32
      %sign3A_48 = arith.extui %sign3A_47 : i1 to i32
      %sign3A_49 = arith.subi %sign3A_45, %sign3A_48 : i32
      %ne3A = arith.cmpi ne, %sign3A_42, %sign3A_49 : i32
      %rem3A = arith.remsi %scan3A_35, %jit3A : i32
      %ne3A_50 = arith.constant 0 : i32
      %ne3A_51 = arith.cmpi ne, %rem3A, %ne3A_50 : i32
      %and3A = arith.andi %ne3A, %ne3A_51 : i1
      %sub3A = arith.constant 1 : i32
      %sub3A_52 = arith.subi %div3A, %sub3A : i32
      %select_n3A = arith.select %and3A, %sub3A_52, %div3A : i32
      %jit3A_53 = arith.constant 8 : i32
      %eq3A = arith.constant 0 : i32
      %eq3A_54 = arith.cmpi eq, %jit3A_53, %eq3A : i32
      %jit3A_55 = arith.constant 1 : i32
      %select_n3A_56 = arith.select %eq3A_54, %jit3A_55, %jit3A_53 : i32
      %rem3A_57 = arith.remsi %scan3A_35, %select_n3A_56 : i32
      %ne3A_58 = arith.constant 0 : i32
      %ne3A_59 = arith.cmpi ne, %rem3A_57, %ne3A_58 : i32
      %lt3A = arith.constant 0 : i32
      %lt3A_60 = arith.cmpi slt, %rem3A_57, %lt3A : i32
      %lt3A_61 = arith.constant 0 : i32
      %lt3A_62 = arith.cmpi slt, %select_n3A_56, %lt3A_61 : i32
      %ne3A_63 = arith.xori %lt3A_60, %lt3A_62 : i1
      %and3A_64 = arith.andi %ne3A_63, %ne3A_59 : i1
      %add3A_65 = arith.addi %rem3A_57, %select_n3A_56 : i32
      %select_n3A_66 = arith.select %and3A_64, %add3A_65, %rem3A_57 : i32
      %mul3A_67 = arith.constant 16 : i32
      %mul3A_68 = arith.muli %select_n3A_66, %mul3A_67 : i32
      %swap3A = arith.index_cast %select_n3A : i32 to index
      %swap3A_69 = arith.index_cast %mul3A_68 : i32 to index
      %swap3A_70 = tpu.vector_load %arg6[%swap3A, %swap3A_69] {strides = array<i32>} : memref<80x128xf32, #tpu.memory_space<vmem>>, vector<1x16xf32>,
      %swap3A_71 = vector.shape_cast %swap3A_70 : vector<1x16xf32> to vector<16xf32>
      %swap3A_72 = vector.shape_cast %broadcast_in_dim3A_36 : vector<16xf32> to vector<1x16xf32>
      tpu.vector_store %arg6[%swap3A, %swap3A_69], %swap3A_72 {strides = array<i32>} : memref<80x128xf32, #tpu.memory_space<vmem>>, vector<1x16xf32>,
    }
    %scan3A_7 = arith.constant 640 : i32
    %scan3A_8 = arith.constant 0 : i32
    %scan3A_9 = arith.constant 0 : i32
    %scan3A_10 = arith.constant 8 : i32
    %scan3A_11 = arith.addi %scan3A_9, %scan3A_10 : i32
    %scan3A_12 = arith.constant 1 : i32
    scf.for %scan3A_35 = %scan3A_9 to %scan3A_11 step %scan3A_12  : i32 {
      %mul3A_36 = arith.constant 640 : i32
      %mul3A_37 = arith.muli %arg1, %mul3A_36 : i32
      %mul3A_38 = arith.constant 80 : i32
      %mul3A_39 = arith.muli %scan3A_35, %mul3A_38 : i32
      %add3A_40 = arith.addi %mul3A_37, %mul3A_39 : i32
      "tpu.region"() ({
        %run_scoped3A_41 = tpu.sem_alloc : memref<!tpu.dma_semaphore, #tpu.memory_space<semaphore_mem>>
        %dma_start3A_42 = arith.constant 0 : i32
        %dma_start3A_43 = tpu.memref_slice %arg8[%add3A_40, %dma_start3A_42] : memref<10240x128xf32, #tpu.memory_space<vmem_shared>> -> memref<80x128xf32, #tpu.memory_space<vmem_shared>>
        %dma_start3A_44 = arith.constant 0 : i32
        %dma_start3A_45 = tpu.memref_slice %arg8[%add3A_40, %dma_start3A_44] : memref<10240x128xf32, #tpu.memory_space<vmem_shared>> -> memref<80x128xf32, #tpu.memory_space<vmem_shared>>
        tpu.enqueue_dma source(%arg6 : memref<80x128xf32, #tpu.memory_space<vmem>>) target(%dma_start3A_45 : memref<80x128xf32, #tpu.memory_space<vmem_shared>>) target_semaphore(%run_scoped3A_41 : memref<!tpu.dma_semaphore, #tpu.memory_space<semaphore_mem>>)
        %dma_wait3A_46 = arith.constant 0 : i32
        %dma_wait3A_47 = tpu.memref_slice %arg8[%add3A_40, %dma_wait3A_46] : memref<10240x128xf32, #tpu.memory_space<vmem_shared>> -> memref<80x128xf32, #tpu.memory_space<vmem_shared>>
        %dma_wait3A_48 = arith.constant 0 : i32
        %dma_wait3A_49 = tpu.memref_slice %arg8[%add3A_40, %dma_wait3A_48] : memref<10240x128xf32, #tpu.memory_space<vmem_shared>> -> memref<80x128xf32, #tpu.memory_space<vmem_shared>>
        tpu.wait_dma2 semaphore(%run_scoped3A_41 : memref<!tpu.dma_semaphore, #tpu.memory_space<semaphore_mem>>) src(%arg6 : memref<80x128xf32, #tpu.memory_space<vmem>>) dst(%dma_wait3A_49 : memref<80x128xf32, #tpu.memory_space<vmem_shared>>)
        tpu.yield
      }) : () -> ()
    }
    %scan3A_13 = arith.constant 8 : i32
    %barrier3A = arith.constant 0 : index
    tpu.barrier barrier_id(%barrier3A)
    %add3A_14 = arith.constant 0 : i32
    %add3A_15 = arith.addi %mul3A_2, %add3A_14 : i32
    %dma_start3A = arith.constant 0 : i32
    %dma_start3A_16 = tpu.memref_slice %arg2[%add3A_15, %dma_start3A] : memref<320000x128xf32, #tpu.memory_space<hbm>> -> memref<80x128xf32, #tpu.memory_space<hbm>>
    %dma_start3A_17 = arith.constant 0 : i32
    %dma_start3A_18 = tpu.memref_slice %arg2[%add3A_15, %dma_start3A_17] : memref<320000x128xf32, #tpu.memory_space<hbm>> -> memref<80x128xf32, #tpu.memory_space<hbm>>
    tpu.enqueue_dma source(%dma_start3A_18 : memref<80x128xf32, #tpu.memory_space<hbm>>) target(%arg6 : memref<80x128xf32, #tpu.memory_space<vmem>>) target_semaphore(%arg9 : memref<!tpu.dma_semaphore, #tpu.memory_space<semaphore_mem>>)
    %scan3A_19 = arith.constant 0 : i32
    %scan3A_20 = arith.constant 0 : i32
    %scan3A_21 = arith.constant 62 : i32
    %scan3A_22 = arith.addi %scan3A_20, %scan3A_21 : i32
    %scan3A_23 = arith.constant 1 : i32
    scf.for %scan3A_35 = %scan3A_20 to %scan3A_22 step %scan3A_23  : i32 {
      %mul3A_36 = arith.constant 2 : i32
      %mul3A_37 = arith.muli %mul3A_36, %scan3A_35 : i32
      %add3A_38 = arith.constant 1 : i32
      %add3A_39 = arith.addi %mul3A_37, %add3A_38 : i32
      %mul3A_40 = arith.constant 80 : i32
      %mul3A_41 = arith.muli %add3A_39, %mul3A_40 : i32
      %add3A_42 = arith.addi %mul3A_2, %mul3A_41 : i32
      %dma_start3A_43 = arith.constant 0 : i32
      %dma_start3A_44 = tpu.memref_slice %arg2[%add3A_42, %dma_start3A_43] : memref<320000x128xf32, #tpu.memory_space<hbm>> -> memref<80x128xf32, #tpu.memory_space<hbm>>
      %dma_start3A_45 = arith.constant 0 : i32
      %dma_start3A_46 = tpu.memref_slice %arg2[%add3A_42, %dma_start3A_45] : memref<320000x128xf32, #tpu.memory_space<hbm>> -> memref<80x128xf32, #tpu.memory_space<hbm>>
      tpu.enqueue_dma source(%dma_start3A_46 : memref<80x128xf32, #tpu.memory_space<hbm>>) target(%arg7 : memref<80x128xf32, #tpu.memory_space<vmem>>) target_semaphore(%arg10 : memref<!tpu.dma_semaphore, #tpu.memory_space<semaphore_mem>>)
      %mul3A_47 = arith.constant 2 : i32
      %mul3A_48 = arith.muli %mul3A_47, %scan3A_35 : i32
      %mul3A_49 = arith.constant 80 : i32
      %mul3A_50 = arith.muli %mul3A_48, %mul3A_49 : i32
      %add3A_51 = arith.addi %mul3A_2, %mul3A_50 : i32
      %dma_wait3A_52 = arith.constant 0 : i32
      %dma_wait3A_53 = tpu.memref_slice %arg2[%add3A_51, %dma_wait3A_52] : memref<320000x128xf32, #tpu.memory_space<hbm>> -> memref<80x128xf32, #tpu.memory_space<hbm>>
      %dma_wait3A_54 = arith.constant 0 : i32
      %dma_wait3A_55 = tpu.memref_slice %arg2[%add3A_51, %dma_wait3A_54] : memref<320000x128xf32, #tpu.memory_space<hbm>> -> memref<80x128xf32, #tpu.memory_space<hbm>>
      tpu.wait_dma2 semaphore(%arg9 : memref<!tpu.dma_semaphore, #tpu.memory_space<semaphore_mem>>) src(%dma_wait3A_55 : memref<80x128xf32, #tpu.memory_space<hbm>>) dst(%arg6 : memref<80x128xf32, #tpu.memory_space<vmem>>)
      "tpu.region"() ({
        %run_scoped3A_78 = tpu.sem_alloc : memref<!tpu.dma_semaphore, #tpu.memory_space<semaphore_mem>>
        %dma_start3A_79 = arith.constant 0 : i32
        %dma_start3A_80 = tpu.memref_slice %arg5[%mul3A_48, %dma_start3A_79] : memref<125x80xi32, #tpu.memory_space<vmem>> -> memref<1x80xi32, #tpu.memory_space<vmem>>
        %dma_start3A_81 = tpu.memref_squeeze %dma_start3A_80 : memref<1x80xi32, #tpu.memory_space<vmem>> -> memref<80xi32, #tpu.memory_space<vmem>>
        %dma_start3A_82 = arith.constant 0 : i32
        %dma_start3A_83 = arith.constant 0 : i32
        %dma_start3A_84 = tpu.memref_slice %arg8[%dma_start3A_82, %dma_start3A_83] : memref<10240x128xf32, #tpu.memory_space<vmem_shared>> -> memref<10240x128xf32, #tpu.memory_space<vmem_shared>>
        tpu.enqueue_indirect_dma source(%arg6 : memref<80x128xf32, #tpu.memory_space<vmem>>) target(%dma_start3A_84 : memref<10240x128xf32, #tpu.memory_space<vmem_shared>>) offsets(%dma_start3A_81 : memref<80xi32, #tpu.memory_space<vmem>>) semaphore(%run_scoped3A_78 : memref<!tpu.dma_semaphore, #tpu.memory_space<semaphore_mem>>) {add = true}
        %dma_wait3A_85 = arith.constant 0 : i32
        %dma_wait3A_86 = tpu.memref_slice %arg5[%mul3A_48, %dma_wait3A_85] : memref<125x80xi32, #tpu.memory_space<vmem>> -> memref<1x80xi32, #tpu.memory_space<vmem>>
        %dma_wait3A_87 = tpu.memref_squeeze %dma_wait3A_86 : memref<1x80xi32, #tpu.memory_space<vmem>> -> memref<80xi32, #tpu.memory_space<vmem>>
        %dma_wait3A_88 = arith.constant 0 : i32
        %dma_wait3A_89 = arith.constant 0 : i32
        %dma_wait3A_90 = tpu.memref_slice %arg8[%dma_wait3A_88, %dma_wait3A_89] : memref<10240x128xf32, #tpu.memory_space<vmem_shared>> -> memref<10240x128xf32, #tpu.memory_space<vmem_shared>>
        tpu.wait_indirect_dma semaphore(%run_scoped3A_78 : memref<!tpu.dma_semaphore, #tpu.memory_space<semaphore_mem>>) src(%arg6 : memref<80x128xf32, #tpu.memory_space<vmem>>) dst(%dma_wait3A_90 : memref<10240x128xf32, #tpu.memory_space<vmem_shared>>)
        tpu.yield
      }) : () -> ()
      %mul3A_56 = arith.constant 2 : i32
      %mul3A_57 = arith.muli %mul3A_56, %scan3A_35 : i32
      %add3A_58 = arith.constant 2 : i32
      %add3A_59 = arith.addi %mul3A_57, %add3A_58 : i32
      %mul3A_60 = arith.constant 80 : i32
      %mul3A_61 = arith.muli %add3A_59, %mul3A_60 : i32
      %add3A_62 = arith.addi %mul3A_2, %mul3A_61 : i32
      %dma_start3A_63 = arith.constant 0 : i32
      %dma_start3A_64 = tpu.memref_slice %arg2[%add3A_62, %dma_start3A_63] : memref<320000x128xf32, #tpu.memory_space<hbm>> -> memref<80x128xf32, #tpu.memory_space<hbm>>
      %dma_start3A_65 = arith.constant 0 : i32
      %dma_start3A_66 = tpu.memref_slice %arg2[%add3A_62, %dma_start3A_65] : memref<320000x128xf32, #tpu.memory_space<hbm>> -> memref<80x128xf32, #tpu.memory_space<hbm>>
      tpu.enqueue_dma source(%dma_start3A_66 : memref<80x128xf32, #tpu.memory_space<hbm>>) target(%arg6 : memref<80x128xf32, #tpu.memory_space<vmem>>) target_semaphore(%arg9 : memref<!tpu.dma_semaphore, #tpu.memory_space<semaphore_mem>>)
      %mul3A_67 = arith.constant 2 : i32
      %mul3A_68 = arith.muli %mul3A_67, %scan3A_35 : i32
      %add3A_69 = arith.constant 1 : i32
      %add3A_70 = arith.addi %mul3A_68, %add3A_69 : i32
      %mul3A_71 = arith.constant 80 : i32
      %mul3A_72 = arith.muli %add3A_70, %mul3A_71 : i32
      %add3A_73 = arith.addi %mul3A_2, %mul3A_72 : i32
      %dma_wait3A_74 = arith.constant 0 : i32
      %dma_wait3A_75 = tpu.memref_slice %arg2[%add3A_73, %dma_wait3A_74] : memref<320000x128xf32, #tpu.memory_space<hbm>> -> memref<80x128xf32, #tpu.memory_space<hbm>>
      %dma_wait3A_76 = arith.constant 0 : i32
      %dma_wait3A_77 = tpu.memref_slice %arg2[%add3A_73, %dma_wait3A_76] : memref<320000x128xf32, #tpu.memory_space<hbm>> -> memref<80x128xf32, #tpu.memory_space<hbm>>
      tpu.wait_dma2 semaphore(%arg10 : memref<!tpu.dma_semaphore, #tpu.memory_space<semaphore_mem>>) src(%dma_wait3A_77 : memref<80x128xf32, #tpu.memory_space<hbm>>) dst(%arg7 : memref<80x128xf32, #tpu.memory_space<vmem>>)
      "tpu.region"() ({
        %run_scoped3A_78 = tpu.sem_alloc : memref<!tpu.dma_semaphore, #tpu.memory_space<semaphore_mem>>
        %dma_start3A_79 = arith.constant 0 : i32
        %dma_start3A_80 = tpu.memref_slice %arg5[%add3A_70, %dma_start3A_79] : memref<125x80xi32, #tpu.memory_space<vmem>> -> memref<1x80xi32, #tpu.memory_space<vmem>>
        %dma_start3A_81 = tpu.memref_squeeze %dma_start3A_80 : memref<1x80xi32, #tpu.memory_space<vmem>> -> memref<80xi32, #tpu.memory_space<vmem>>
        %dma_start3A_82 = arith.constant 0 : i32
        %dma_start3A_83 = arith.constant 0 : i32
        %dma_start3A_84 = tpu.memref_slice %arg8[%dma_start3A_82, %dma_start3A_83] : memref<10240x128xf32, #tpu.memory_space<vmem_shared>> -> memref<10240x128xf32, #tpu.memory_space<vmem_shared>>
        tpu.enqueue_indirect_dma source(%arg7 : memref<80x128xf32, #tpu.memory_space<vmem>>) target(%dma_start3A_84 : memref<10240x128xf32, #tpu.memory_space<vmem_shared>>) offsets(%dma_start3A_81 : memref<80xi32, #tpu.memory_space<vmem>>) semaphore(%run_scoped3A_78 : memref<!tpu.dma_semaphore, #tpu.memory_space<semaphore_mem>>) {add = true}
        %dma_wait3A_85 = arith.constant 0 : i32
        %dma_wait3A_86 = tpu.memref_slice %arg5[%add3A_70, %dma_wait3A_85] : memref<125x80xi32, #tpu.memory_space<vmem>> -> memref<1x80xi32, #tpu.memory_space<vmem>>
        %dma_wait3A_87 = tpu.memref_squeeze %dma_wait3A_86 : memref<1x80xi32, #tpu.memory_space<vmem>> -> memref<80xi32, #tpu.memory_space<vmem>>
        %dma_wait3A_88 = arith.constant 0 : i32
        %dma_wait3A_89 = arith.constant 0 : i32
        %dma_wait3A_90 = tpu.memref_slice %arg8[%dma_wait3A_88, %dma_wait3A_89] : memref<10240x128xf32, #tpu.memory_space<vmem_shared>> -> memref<10240x128xf32, #tpu.memory_space<vmem_shared>>
        tpu.wait_indirect_dma semaphore(%run_scoped3A_78 : memref<!tpu.dma_semaphore, #tpu.memory_space<semaphore_mem>>) src(%arg7 : memref<80x128xf32, #tpu.memory_space<vmem>>) dst(%dma_wait3A_90 : memref<10240x128xf32, #tpu.memory_space<vmem_shared>>)
        tpu.yield
      }) : () -> ()
    }
    %scan3A_24 = arith.constant 62 : i32
    %add3A_25 = arith.constant 9920 : i32
    %add3A_26 = arith.addi %mul3A_2, %add3A_25 : i32
    %dma_wait3A = arith.constant 0 : i32
    %dma_wait3A_27 = tpu.memref_slice %arg2[%add3A_26, %dma_wait3A] : memref<320000x128xf32, #tpu.memory_space<hbm>> -> memref<80x128xf32, #tpu.memory_space<hbm>>
    %dma_wait3A_28 = arith.constant 0 : i32
    %dma_wait3A_29 = tpu.memref_slice %arg2[%add3A_26, %dma_wait3A_28] : memref<320000x128xf32, #tpu.memory_space<hbm>> -> memref<80x128xf32, #tpu.memory_space<hbm>>
    tpu.wait_dma2 semaphore(%arg9 : memref<!tpu.dma_semaphore, #tpu.memory_space<semaphore_mem>>) src(%dma_wait3A_29 : memref<80x128xf32, #tpu.memory_space<hbm>>) dst(%arg6 : memref<80x128xf32, #tpu.memory_space<vmem>>)
    %run_scoped3A = arith.constant 124 : i32
    "tpu.region"() ({
      %run_scoped3A_35 = tpu.sem_alloc : memref<!tpu.dma_semaphore, #tpu.memory_space<semaphore_mem>>
      %dma_start3A_36 = arith.constant 0 : i32
      %dma_start3A_37 = tpu.memref_slice %arg5[%run_scoped3A, %dma_start3A_36] : memref<125x80xi32, #tpu.memory_space<vmem>> -> memref<1x80xi32, #tpu.memory_space<vmem>>
      %dma_start3A_38 = tpu.memref_squeeze %dma_start3A_37 : memref<1x80xi32, #tpu.memory_space<vmem>> -> memref<80xi32, #tpu.memory_space<vmem>>
      %dma_start3A_39 = arith.constant 0 : i32
      %dma_start3A_40 = arith.constant 0 : i32
      %dma_start3A_41 = tpu.memref_slice %arg8[%dma_start3A_39, %dma_start3A_40] : memref<10240x128xf32, #tpu.memory_space<vmem_shared>> -> memref<10240x128xf32, #tpu.memory_space<vmem_shared>>
      tpu.enqueue_indirect_dma source(%arg6 : memref<80x128xf32, #tpu.memory_space<vmem>>) target(%dma_start3A_41 : memref<10240x128xf32, #tpu.memory_space<vmem_shared>>) offsets(%dma_start3A_38 : memref<80xi32, #tpu.memory_space<vmem>>) semaphore(%run_scoped3A_35 : memref<!tpu.dma_semaphore, #tpu.memory_space<semaphore_mem>>) {add = true}
      %dma_wait3A_42 = arith.constant 0 : i32
      %dma_wait3A_43 = tpu.memref_slice %arg5[%run_scoped3A, %dma_wait3A_42] : memref<125x80xi32, #tpu.memory_space<vmem>> -> memref<1x80xi32, #tpu.memory_space<vmem>>
      %dma_wait3A_44 = tpu.memref_squeeze %dma_wait3A_43 : memref<1x80xi32, #tpu.memory_space<vmem>> -> memref<80xi32, #tpu.memory_space<vmem>>
      %dma_wait3A_45 = arith.constant 0 : i32
      %dma_wait3A_46 = arith.constant 0 : i32
      %dma_wait3A_47 = tpu.memref_slice %arg8[%dma_wait3A_45, %dma_wait3A_46] : memref<10240x128xf32, #tpu.memory_space<vmem_shared>> -> memref<10240x128xf32, #tpu.memory_space<vmem_shared>>
      tpu.wait_indirect_dma semaphore(%run_scoped3A_35 : memref<!tpu.dma_semaphore, #tpu.memory_space<semaphore_mem>>) src(%arg6 : memref<80x128xf32, #tpu.memory_space<vmem>>) dst(%dma_wait3A_47 : memref<10240x128xf32, #tpu.memory_space<vmem_shared>>)
      tpu.yield
    }) : () -> ()
    %barrier3A_30 = arith.constant 0 : index
    tpu.barrier barrier_id(%barrier3A_30)
    %mul3A_31 = arith.constant 640 : i32
    %mul3A_32 = arith.muli %arg1, %mul3A_31 : i32
    %mul3A_33 = arith.constant 640 : i32
    %mul3A_34 = arith.muli %arg1, %mul3A_33 : i32
    "tpu.region"() ({
      %run_scoped3A_35 = tpu.sem_alloc : memref<!tpu.dma_semaphore, #tpu.memory_space<semaphore_mem>>
      %dma_start3A_36 = arith.constant 0 : i32
      %dma_start3A_37 = tpu.memref_slice %arg4[%arg0, %mul3A_34, %dma_start3A_36] : memref<2x10240x128xf32, #tpu.memory_space<hbm>> -> memref<1x640x128xf32, #tpu.memory_space<hbm>>
      %dma_start3A_38 = tpu.memref_squeeze %dma_start3A_37 : memref<1x640x128xf32, #tpu.memory_space<hbm>> -> memref<640x128xf32, #tpu.memory_space<hbm>>
      %dma_start3A_39 = arith.constant 0 : i32
      %dma_start3A_40 = tpu.memref_slice %arg8[%mul3A_32, %dma_start3A_39] : memref<10240x128xf32, #tpu.memory_space<vmem_shared>> -> memref<640x128xf32, #tpu.memory_space<vmem_shared>>
      tpu.enqueue_dma source(%dma_start3A_40 : memref<640x128xf32, #tpu.memory_space<vmem_shared>>) target(%dma_start3A_38 : memref<640x128xf32, #tpu.memory_space<hbm>>) target_semaphore(%run_scoped3A_35 : memref<!tpu.dma_semaphore, #tpu.memory_space<semaphore_mem>>)
      %dma_wait3A_41 = arith.constant 0 : i32
      %dma_wait3A_42 = tpu.memref_slice %arg4[%arg0, %mul3A_34, %dma_wait3A_41] : memref<2x10240x128xf32, #tpu.memory_space<hbm>> -> memref<1x640x128xf32, #tpu.memory_space<hbm>>
      %dma_wait3A_43 = tpu.memref_squeeze %dma_wait3A_42 : memref<1x640x128xf32, #tpu.memory_space<hbm>> -> memref<640x128xf32, #tpu.memory_space<hbm>>
      %dma_wait3A_44 = arith.constant 0 : i32
      %dma_wait3A_45 = tpu.memref_slice %arg8[%mul3A_32, %dma_wait3A_44] : memref<10240x128xf32, #tpu.memory_space<vmem_shared>> -> memref<640x128xf32, #tpu.memory_space<vmem_shared>>
      tpu.wait_dma2 semaphore(%run_scoped3A_35 : memref<!tpu.dma_semaphore, #tpu.memory_space<semaphore_mem>>) src(%dma_wait3A_45 : memref<640x128xf32, #tpu.memory_space<vmem_shared>>) dst(%dma_wait3A_43 : memref<640x128xf32, #tpu.memory_space<hbm>>)
      tpu.yield
    }) : () -> ()
    return
  }
}

#map = affine_map<(d0, d1) -> (0, 0)>
#map1 = affine_map<(d0, d1) -> (0, 0, 0)>
module attributes {stable_mosaic.version = 14 : i64} {
  func.func @gk(%arg0: i32, %arg1: i32, %arg2: memref<10000x128xf32, #tpu.memory_space<hbm>>, %arg3: memref<32x125x80xi32, #tpu.memory_space<hbm>>, %arg4: memref<320000x128xf32, #tpu.memory_space<hbm>>, %arg5: memref<125x80xi32, #tpu.memory_space<vmem>>, %arg6: memref<80x128xf32, #tpu.memory_space<vmem>>, %arg7: memref<80x128xf32, #tpu.memory_space<vmem>>, %arg8: memref<!tpu.dma_semaphore, #tpu.memory_space<semaphore_mem>>, %arg9: memref<!tpu.dma_semaphore, #tpu.memory_space<semaphore_mem>>) attributes {dimension_semantics = [#tpu.dimension_semantics<core_parallel>, #tpu.dimension_semantics<subcore_parallel>], iteration_bounds = array<i64: 2, 16>, scalar_prefetch = 0 : i64, scratch_operands = 5 : i64, tpu.core_type = #tpu.core_type<sc_vector_subcore>, window_params = [{transform_indices = #map}, {transform_indices = #map1}, {transform_indices = #map}]} {
    %mul3A = arith.constant 2 : i32
    %mul3A_0 = arith.muli %arg1, %mul3A : i32
    %add3A = arith.addi %mul3A_0, %arg0 : i32
    %mul3A_1 = arith.constant 10000 : i32
    %mul3A_2 = arith.muli %add3A, %mul3A_1 : i32
    "tpu.region"() ({
      %run_scoped3A = tpu.sem_alloc : memref<!tpu.dma_semaphore, #tpu.memory_space<semaphore_mem>>
      %dma_start3A_22 = arith.constant 0 : i32
      %dma_start3A_23 = arith.constant 0 : i32
      %dma_start3A_24 = tpu.memref_slice %arg3[%add3A, %dma_start3A_22, %dma_start3A_23] : memref<32x125x80xi32, #tpu.memory_space<hbm>> -> memref<1x125x80xi32, #tpu.memory_space<hbm>>
      %dma_start3A_25 = tpu.memref_squeeze %dma_start3A_24 : memref<1x125x80xi32, #tpu.memory_space<hbm>> -> memref<125x80xi32, #tpu.memory_space<hbm>>
      %dma_start3A_26 = arith.constant 0 : i32
      %dma_start3A_27 = arith.constant 0 : i32
      %dma_start3A_28 = tpu.memref_slice %arg3[%add3A, %dma_start3A_26, %dma_start3A_27] : memref<32x125x80xi32, #tpu.memory_space<hbm>> -> memref<1x125x80xi32, #tpu.memory_space<hbm>>
      %dma_start3A_29 = tpu.memref_squeeze %dma_start3A_28 : memref<1x125x80xi32, #tpu.memory_space<hbm>> -> memref<125x80xi32, #tpu.memory_space<hbm>>
      tpu.enqueue_dma source(%dma_start3A_29 : memref<125x80xi32, #tpu.memory_space<hbm>>) target(%arg5 : memref<125x80xi32, #tpu.memory_space<vmem>>) target_semaphore(%run_scoped3A : memref<!tpu.dma_semaphore, #tpu.memory_space<semaphore_mem>>)
      %dma_wait3A_30 = arith.constant 0 : i32
      %dma_wait3A_31 = arith.constant 0 : i32
      %dma_wait3A_32 = tpu.memref_slice %arg3[%add3A, %dma_wait3A_30, %dma_wait3A_31] : memref<32x125x80xi32, #tpu.memory_space<hbm>> -> memref<1x125x80xi32, #tpu.memory_space<hbm>>
      %dma_wait3A_33 = tpu.memref_squeeze %dma_wait3A_32 : memref<1x125x80xi32, #tpu.memory_space<hbm>> -> memref<125x80xi32, #tpu.memory_space<hbm>>
      %dma_wait3A_34 = arith.constant 0 : i32
      %dma_wait3A_35 = arith.constant 0 : i32
      %dma_wait3A_36 = tpu.memref_slice %arg3[%add3A, %dma_wait3A_34, %dma_wait3A_35] : memref<32x125x80xi32, #tpu.memory_space<hbm>> -> memref<1x125x80xi32, #tpu.memory_space<hbm>>
      %dma_wait3A_37 = tpu.memref_squeeze %dma_wait3A_36 : memref<1x125x80xi32, #tpu.memory_space<hbm>> -> memref<125x80xi32, #tpu.memory_space<hbm>>
      tpu.wait_dma2 semaphore(%run_scoped3A : memref<!tpu.dma_semaphore, #tpu.memory_space<semaphore_mem>>) src(%dma_wait3A_37 : memref<125x80xi32, #tpu.memory_space<hbm>>) dst(%arg5 : memref<125x80xi32, #tpu.memory_space<vmem>>)
      tpu.yield
    }) : () -> ()
    %dma_start3A = arith.constant 0 : i32
    %dma_start3A_3 = arith.constant 0 : i32
    %dma_start3A_4 = tpu.memref_slice %arg5[%dma_start3A, %dma_start3A_3] : memref<125x80xi32, #tpu.memory_space<vmem>> -> memref<1x80xi32, #tpu.memory_space<vmem>>
    %dma_start3A_5 = tpu.memref_squeeze %dma_start3A_4 : memref<1x80xi32, #tpu.memory_space<vmem>> -> memref<80xi32, #tpu.memory_space<vmem>>
    %dma_start3A_6 = arith.constant 0 : i32
    %dma_start3A_7 = arith.constant 0 : i32
    %dma_start3A_8 = tpu.memref_slice %arg2[%dma_start3A_6, %dma_start3A_7] : memref<10000x128xf32, #tpu.memory_space<hbm>> -> memref<10000x128xf32, #tpu.memory_space<hbm>>
    tpu.enqueue_indirect_dma source(%dma_start3A_8 : memref<10000x128xf32, #tpu.memory_space<hbm>>) target(%arg6 : memref<80x128xf32, #tpu.memory_space<vmem>>) offsets(%dma_start3A_5 : memref<80xi32, #tpu.memory_space<vmem>>) semaphore(%arg8 : memref<!tpu.dma_semaphore, #tpu.memory_space<semaphore_mem>>)
    %scan3A = arith.constant 0 : i32
    %scan3A_9 = arith.constant 0 : i32
    %scan3A_10 = arith.constant 62 : i32
    %scan3A_11 = arith.addi %scan3A_9, %scan3A_10 : i32
    %scan3A_12 = arith.constant 1 : i32
    scf.for %scan3A_22 = %scan3A_9 to %scan3A_11 step %scan3A_12  : i32 {
      %mul3A_23 = arith.constant 2 : i32
      %mul3A_24 = arith.muli %mul3A_23, %scan3A_22 : i32
      %add3A_25 = arith.constant 1 : i32
      %add3A_26 = arith.addi %mul3A_24, %add3A_25 : i32
      %dma_start3A_27 = arith.constant 0 : i32
      %dma_start3A_28 = tpu.memref_slice %arg5[%add3A_26, %dma_start3A_27] : memref<125x80xi32, #tpu.memory_space<vmem>> -> memref<1x80xi32, #tpu.memory_space<vmem>>
      %dma_start3A_29 = tpu.memref_squeeze %dma_start3A_28 : memref<1x80xi32, #tpu.memory_space<vmem>> -> memref<80xi32, #tpu.memory_space<vmem>>
      %dma_start3A_30 = arith.constant 0 : i32
      %dma_start3A_31 = arith.constant 0 : i32
      %dma_start3A_32 = tpu.memref_slice %arg2[%dma_start3A_30, %dma_start3A_31] : memref<10000x128xf32, #tpu.memory_space<hbm>> -> memref<10000x128xf32, #tpu.memory_space<hbm>>
      tpu.enqueue_indirect_dma source(%dma_start3A_32 : memref<10000x128xf32, #tpu.memory_space<hbm>>) target(%arg7 : memref<80x128xf32, #tpu.memory_space<vmem>>) offsets(%dma_start3A_29 : memref<80xi32, #tpu.memory_space<vmem>>) semaphore(%arg9 : memref<!tpu.dma_semaphore, #tpu.memory_space<semaphore_mem>>)
      %mul3A_33 = arith.constant 2 : i32
      %mul3A_34 = arith.muli %mul3A_33, %scan3A_22 : i32
      %dma_wait3A_35 = arith.constant 0 : i32
      %dma_wait3A_36 = tpu.memref_slice %arg5[%mul3A_34, %dma_wait3A_35] : memref<125x80xi32, #tpu.memory_space<vmem>> -> memref<1x80xi32, #tpu.memory_space<vmem>>
      %dma_wait3A_37 = tpu.memref_squeeze %dma_wait3A_36 : memref<1x80xi32, #tpu.memory_space<vmem>> -> memref<80xi32, #tpu.memory_space<vmem>>
      %dma_wait3A_38 = arith.constant 0 : i32
      %dma_wait3A_39 = arith.constant 0 : i32
      %dma_wait3A_40 = tpu.memref_slice %arg2[%dma_wait3A_38, %dma_wait3A_39] : memref<10000x128xf32, #tpu.memory_space<hbm>> -> memref<10000x128xf32, #tpu.memory_space<hbm>>
      tpu.wait_indirect_dma semaphore(%arg8 : memref<!tpu.dma_semaphore, #tpu.memory_space<semaphore_mem>>) src(%dma_wait3A_40 : memref<10000x128xf32, #tpu.memory_space<hbm>>) dst(%arg6 : memref<80x128xf32, #tpu.memory_space<vmem>>)
      %mul3A_41 = arith.constant 80 : i32
      %mul3A_42 = arith.muli %mul3A_34, %mul3A_41 : i32
      %add3A_43 = arith.addi %mul3A_2, %mul3A_42 : i32
      "tpu.region"() ({
        %run_scoped3A = tpu.sem_alloc : memref<!tpu.dma_semaphore, #tpu.memory_space<semaphore_mem>>
        %dma_start3A_67 = arith.constant 0 : i32
        %dma_start3A_68 = tpu.memref_slice %arg4[%add3A_43, %dma_start3A_67] : memref<320000x128xf32, #tpu.memory_space<hbm>> -> memref<80x128xf32, #tpu.memory_space<hbm>>
        %dma_start3A_69 = arith.constant 0 : i32
        %dma_start3A_70 = tpu.memref_slice %arg4[%add3A_43, %dma_start3A_69] : memref<320000x128xf32, #tpu.memory_space<hbm>> -> memref<80x128xf32, #tpu.memory_space<hbm>>
        tpu.enqueue_dma source(%arg6 : memref<80x128xf32, #tpu.memory_space<vmem>>) target(%dma_start3A_70 : memref<80x128xf32, #tpu.memory_space<hbm>>) target_semaphore(%run_scoped3A : memref<!tpu.dma_semaphore, #tpu.memory_space<semaphore_mem>>)
        %dma_wait3A_71 = arith.constant 0 : i32
        %dma_wait3A_72 = tpu.memref_slice %arg4[%add3A_43, %dma_wait3A_71] : memref<320000x128xf32, #tpu.memory_space<hbm>> -> memref<80x128xf32, #tpu.memory_space<hbm>>
        %dma_wait3A_73 = arith.constant 0 : i32
        %dma_wait3A_74 = tpu.memref_slice %arg4[%add3A_43, %dma_wait3A_73] : memref<320000x128xf32, #tpu.memory_space<hbm>> -> memref<80x128xf32, #tpu.memory_space<hbm>>
        tpu.wait_dma2 semaphore(%run_scoped3A : memref<!tpu.dma_semaphore, #tpu.memory_space<semaphore_mem>>) src(%arg6 : memref<80x128xf32, #tpu.memory_space<vmem>>) dst(%dma_wait3A_74 : memref<80x128xf32, #tpu.memory_space<hbm>>)
        tpu.yield
      }) : () -> ()
      %mul3A_44 = arith.constant 2 : i32
      %mul3A_45 = arith.muli %mul3A_44, %scan3A_22 : i32
      %add3A_46 = arith.constant 2 : i32
      %add3A_47 = arith.addi %mul3A_45, %add3A_46 : i32
      %dma_start3A_48 = arith.constant 0 : i32
      %dma_start3A_49 = tpu.memref_slice %arg5[%add3A_47, %dma_start3A_48] : memref<125x80xi32, #tpu.memory_space<vmem>> -> memref<1x80xi32, #tpu.memory_space<vmem>>
      %dma_start3A_50 = tpu.memref_squeeze %dma_start3A_49 : memref<1x80xi32, #tpu.memory_space<vmem>> -> memref<80xi32, #tpu.memory_space<vmem>>
      %dma_start3A_51 = arith.constant 0 : i32
      %dma_start3A_52 = arith.constant 0 : i32
      %dma_start3A_53 = tpu.memref_slice %arg2[%dma_start3A_51, %dma_start3A_52] : memref<10000x128xf32, #tpu.memory_space<hbm>> -> memref<10000x128xf32, #tpu.memory_space<hbm>>
      tpu.enqueue_indirect_dma source(%dma_start3A_53 : memref<10000x128xf32, #tpu.memory_space<hbm>>) target(%arg6 : memref<80x128xf32, #tpu.memory_space<vmem>>) offsets(%dma_start3A_50 : memref<80xi32, #tpu.memory_space<vmem>>) semaphore(%arg8 : memref<!tpu.dma_semaphore, #tpu.memory_space<semaphore_mem>>)
      %mul3A_54 = arith.constant 2 : i32
      %mul3A_55 = arith.muli %mul3A_54, %scan3A_22 : i32
      %add3A_56 = arith.constant 1 : i32
      %add3A_57 = arith.addi %mul3A_55, %add3A_56 : i32
      %dma_wait3A_58 = arith.constant 0 : i32
      %dma_wait3A_59 = tpu.memref_slice %arg5[%add3A_57, %dma_wait3A_58] : memref<125x80xi32, #tpu.memory_space<vmem>> -> memref<1x80xi32, #tpu.memory_space<vmem>>
      %dma_wait3A_60 = tpu.memref_squeeze %dma_wait3A_59 : memref<1x80xi32, #tpu.memory_space<vmem>> -> memref<80xi32, #tpu.memory_space<vmem>>
      %dma_wait3A_61 = arith.constant 0 : i32
      %dma_wait3A_62 = arith.constant 0 : i32
      %dma_wait3A_63 = tpu.memref_slice %arg2[%dma_wait3A_61, %dma_wait3A_62] : memref<10000x128xf32, #tpu.memory_space<hbm>> -> memref<10000x128xf32, #tpu.memory_space<hbm>>
      tpu.wait_indirect_dma semaphore(%arg9 : memref<!tpu.dma_semaphore, #tpu.memory_space<semaphore_mem>>) src(%dma_wait3A_63 : memref<10000x128xf32, #tpu.memory_space<hbm>>) dst(%arg7 : memref<80x128xf32, #tpu.memory_space<vmem>>)
      %mul3A_64 = arith.constant 80 : i32
      %mul3A_65 = arith.muli %add3A_57, %mul3A_64 : i32
      %add3A_66 = arith.addi %mul3A_2, %mul3A_65 : i32
      "tpu.region"() ({
        %run_scoped3A = tpu.sem_alloc : memref<!tpu.dma_semaphore, #tpu.memory_space<semaphore_mem>>
        %dma_start3A_67 = arith.constant 0 : i32
        %dma_start3A_68 = tpu.memref_slice %arg4[%add3A_66, %dma_start3A_67] : memref<320000x128xf32, #tpu.memory_space<hbm>> -> memref<80x128xf32, #tpu.memory_space<hbm>>
        %dma_start3A_69 = arith.constant 0 : i32
        %dma_start3A_70 = tpu.memref_slice %arg4[%add3A_66, %dma_start3A_69] : memref<320000x128xf32, #tpu.memory_space<hbm>> -> memref<80x128xf32, #tpu.memory_space<hbm>>
        tpu.enqueue_dma source(%arg7 : memref<80x128xf32, #tpu.memory_space<vmem>>) target(%dma_start3A_70 : memref<80x128xf32, #tpu.memory_space<hbm>>) target_semaphore(%run_scoped3A : memref<!tpu.dma_semaphore, #tpu.memory_space<semaphore_mem>>)
        %dma_wait3A_71 = arith.constant 0 : i32
        %dma_wait3A_72 = tpu.memref_slice %arg4[%add3A_66, %dma_wait3A_71] : memref<320000x128xf32, #tpu.memory_space<hbm>> -> memref<80x128xf32, #tpu.memory_space<hbm>>
        %dma_wait3A_73 = arith.constant 0 : i32
        %dma_wait3A_74 = tpu.memref_slice %arg4[%add3A_66, %dma_wait3A_73] : memref<320000x128xf32, #tpu.memory_space<hbm>> -> memref<80x128xf32, #tpu.memory_space<hbm>>
        tpu.wait_dma2 semaphore(%run_scoped3A : memref<!tpu.dma_semaphore, #tpu.memory_space<semaphore_mem>>) src(%arg7 : memref<80x128xf32, #tpu.memory_space<vmem>>) dst(%dma_wait3A_74 : memref<80x128xf32, #tpu.memory_space<hbm>>)
        tpu.yield
      }) : () -> ()
    }
    %scan3A_13 = arith.constant 62 : i32
    %dma_wait3A = arith.constant 124 : i32
    %dma_wait3A_14 = arith.constant 0 : i32
    %dma_wait3A_15 = tpu.memref_slice %arg5[%dma_wait3A, %dma_wait3A_14] : memref<125x80xi32, #tpu.memory_space<vmem>> -> memref<1x80xi32, #tpu.memory_space<vmem>>
    %dma_wait3A_16 = tpu.memref_squeeze %dma_wait3A_15 : memref<1x80xi32, #tpu.memory_space<vmem>> -> memref<80xi32, #tpu.memory_space<vmem>>
    %dma_wait3A_17 = arith.constant 0 : i32
    %dma_wait3A_18 = arith.constant 0 : i32
    %dma_wait3A_19 = tpu.memref_slice %arg2[%dma_wait3A_17, %dma_wait3A_18] : memref<10000x128xf32, #tpu.memory_space<hbm>> -> memref<10000x128xf32, #tpu.memory_space<hbm>>
    tpu.wait_indirect_dma semaphore(%arg8 : memref<!tpu.dma_semaphore, #tpu.memory_space<semaphore_mem>>) src(%dma_wait3A_19 : memref<10000x128xf32, #tpu.memory_space<hbm>>) dst(%arg6 : memref<80x128xf32, #tpu.memory_space<vmem>>)
    %add3A_20 = arith.constant 9920 : i32
    %add3A_21 = arith.addi %mul3A_2, %add3A_20 : i32
    "tpu.region"() ({
      %run_scoped3A = tpu.sem_alloc : memref<!tpu.dma_semaphore, #tpu.memory_space<semaphore_mem>>
      %dma_start3A_22 = arith.constant 0 : i32
      %dma_start3A_23 = tpu.memref_slice %arg4[%add3A_21, %dma_start3A_22] : memref<320000x128xf32, #tpu.memory_space<hbm>> -> memref<80x128xf32, #tpu.memory_space<hbm>>
      %dma_start3A_24 = arith.constant 0 : i32
      %dma_start3A_25 = tpu.memref_slice %arg4[%add3A_21, %dma_start3A_24] : memref<320000x128xf32, #tpu.memory_space<hbm>> -> memref<80x128xf32, #tpu.memory_space<hbm>>
      tpu.enqueue_dma source(%arg6 : memref<80x128xf32, #tpu.memory_space<vmem>>) target(%dma_start3A_25 : memref<80x128xf32, #tpu.memory_space<hbm>>) target_semaphore(%run_scoped3A : memref<!tpu.dma_semaphore, #tpu.memory_space<semaphore_mem>>)
      %dma_wait3A_26 = arith.constant 0 : i32
      %dma_wait3A_27 = tpu.memref_slice %arg4[%add3A_21, %dma_wait3A_26] : memref<320000x128xf32, #tpu.memory_space<hbm>> -> memref<80x128xf32, #tpu.memory_space<hbm>>
      %dma_wait3A_28 = arith.constant 0 : i32
      %dma_wait3A_29 = tpu.memref_slice %arg4[%add3A_21, %dma_wait3A_28] : memref<320000x128xf32, #tpu.memory_space<hbm>> -> memref<80x128xf32, #tpu.memory_space<hbm>>
      tpu.wait_dma2 semaphore(%run_scoped3A : memref<!tpu.dma_semaphore, #tpu.memory_space<semaphore_mem>>) src(%arg6 : memref<80x128xf32, #tpu.memory_space<vmem>>) dst(%dma_wait3A_29 : memref<80x128xf32, #tpu.memory_space<hbm>>)
      tpu.yield
    }) : () -> ()
    return
  }
}

module attributes {stable_mosaic.version = 14 : i64} {
  func.func @_prep_body(%arg0: i32, %arg1: memref<1000x128xf32, #tpu.memory_space<vmem>>, %arg2: memref<200x128xf32, #tpu.memory_space<vmem>>, %arg3: memref<1x128xf32, #tpu.memory_space<vmem>>, %arg4: memref<128x128xf32, #tpu.memory_space<vmem>>, %arg5: memref<128x128xf32, #tpu.memory_space<vmem>>, %arg6: memref<128x128xf32, #tpu.memory_space<vmem>>, %arg7: memref<128x128xf32, #tpu.memory_space<vmem>>, %arg8: memref<128x256xf32, #tpu.memory_space<vmem>>, %arg9: memref<128x128xf32, #tpu.memory_space<vmem>>, %arg10: memref<128x128xf32, #tpu.memory_space<vmem>>, %arg11: memref<1000x128xf32, #tpu.memory_space<vmem>>, %arg12: memref<200x256xbf16, #tpu.memory_space<vmem>>, %arg13: memref<2x256x128xbf16, #tpu.memory_space<vmem>>, %arg14: memref<128x128xf32, #tpu.memory_space<vmem>>, %arg15: memref<200x128xf32, #tpu.memory_space<vmem>>) attributes {dimension_semantics = [#tpu.dimension_semantics<arbitrary>], iteration_bounds = array<i64: 10>, scalar_prefetch = 0 : i64, scratch_operands = 0 : i64, tpu.core_type = #tpu.core_type<tc>, window_params = [{transform_indices = @transform_0, window_bounds = array<i64: 1000, 128>}, {pipeline_mode = #tpu.pipeline_mode<synchronous>, transform_indices = @transform_1, window_bounds = array<i64: 200, 128>}, {pipeline_mode = #tpu.pipeline_mode<synchronous>, transform_indices = @transform_2, window_bounds = array<i64: 1, 128>}, {pipeline_mode = #tpu.pipeline_mode<synchronous>, transform_indices = @transform_3, window_bounds = array<i64: 128, 128>}, {pipeline_mode = #tpu.pipeline_mode<synchronous>, transform_indices = @transform_4, window_bounds = array<i64: 128, 128>}, {pipeline_mode = #tpu.pipeline_mode<synchronous>, transform_indices = @transform_5, window_bounds = array<i64: 128, 128>}, {pipeline_mode = #tpu.pipeline_mode<synchronous>, transform_indices = @transform_6, window_bounds = array<i64: 128, 128>}, {pipeline_mode = #tpu.pipeline_mode<synchronous>, transform_indices = @transform_7, window_bounds = array<i64: 128, 256>}, {pipeline_mode = #tpu.pipeline_mode<synchronous>, transform_indices = @transform_8, window_bounds = array<i64: 128, 128>}, {pipeline_mode = #tpu.pipeline_mode<synchronous>, transform_indices = @transform_9, window_bounds = array<i64: 128, 128>}, {transform_indices = @transform_10, window_bounds = array<i64: 1000, 128>}, {pipeline_mode = #tpu.pipeline_mode<synchronous>, transform_indices = @transform_11, window_bounds = array<i64: 200, 256>}, {pipeline_mode = #tpu.pipeline_mode<synchronous>, transform_indices = @transform_12, window_bounds = array<i64: 2, 256, 128>}, {pipeline_mode = #tpu.pipeline_mode<synchronous>, transform_indices = @transform_13, window_bounds = array<i64: 128, 128>}, {pipeline_mode = #tpu.pipeline_mode<synchronous>, transform_indices = @transform_14, window_bounds = array<i64: 200, 128>}]} {
    %get3A = arith.constant 0 : index
    %get3A_0 = arith.constant 0 : index
    %get3A_1 = vector.load %arg1[%get3A, %get3A_0] : memref<1000x128xf32, #tpu.memory_space<vmem>>, vector<1000x128xf32>
    %get3A_2 = arith.constant 0 : index
    %get3A_3 = arith.constant 0 : index
    %get3A_4 = vector.load %arg8[%get3A_2, %get3A_3] : memref<128x256xf32, #tpu.memory_space<vmem>>, vector<128x128xf32>
    %dot_general3A = arith.constant dense<0.000000e+00> : vector<1000x128xf32>
    %dot_general3A_5 = tpu.matmul %get3A_1, %get3A_4, %dot_general3A {dimension_numbers = #tpu.dot_dimension_numbers<[1], [0], [0], [1], [0, 0, 1, 1], [], []>, transpose_lhs_hint = false} : vector<1000x128xf32>, vector<128x128xf32>, vector<1000x128xf32> -> vector<1000x128xf32>
    %swap3A = arith.constant 0 : index
    %swap3A_6 = arith.constant 0 : index
    %swap3A_7 = vector.load %arg11[%swap3A, %swap3A_6] : memref<1000x128xf32, #tpu.memory_space<vmem>>, vector<1000x128xf32>
    tpu.vector_store %arg11[%swap3A, %swap3A_6], %dot_general3A_5 {strides = array<i32>} : memref<1000x128xf32, #tpu.memory_space<vmem>>, vector<1000x128xf32>,
    %eq3A = arith.constant 0 : i32
    %eq3A_8 = arith.cmpi eq, %arg0, %eq3A : i32
    %convert_element_type3A = arith.extui %eq3A_8 : i1 to i32
    %cond3A = arith.constant 0 : i32
    %cond3A_9 = arith.cmpi ne, %convert_element_type3A, %cond3A : i32
    scf.if %cond3A_9 {
      %get3A_10 = arith.constant 0 : index
      %get3A_11 = arith.constant 0 : index
      %get3A_12 = vector.load %arg9[%get3A_10, %get3A_11] : memref<128x128xf32, #tpu.memory_space<vmem>>, vector<128x128xf32>
      %get3A_13 = arith.constant 0 : index
      %get3A_14 = arith.constant 0 : index
      %get3A_15 = vector.load %arg10[%get3A_13, %get3A_14] : memref<128x128xf32, #tpu.memory_space<vmem>>, vector<128x128xf32>
      %get3A_16 = arith.constant 0 : index
      %get3A_17 = arith.constant 0 : index
      %get3A_18 = vector.load %arg2[%get3A_16, %get3A_17] : memref<200x128xf32, #tpu.memory_space<vmem>>, vector<200x128xf32>
      %get3A_19 = arith.constant 0 : index
      %get3A_20 = arith.constant 0 : index
      %get3A_21 = vector.load %arg8[%get3A_19, %get3A_20] : memref<128x256xf32, #tpu.memory_space<vmem>>, vector<128x256xf32>
      %dot_general3A_22 = arith.constant dense<0.000000e+00> : vector<200x256xf32>
      %dot_general3A_23 = tpu.matmul %get3A_18, %get3A_21, %dot_general3A_22 {dimension_numbers = #tpu.dot_dimension_numbers<[1], [0], [0], [1], [0, 0, 1, 1], [], []>, transpose_lhs_hint = false} : vector<200x128xf32>, vector<128x256xf32>, vector<200x256xf32> -> vector<200x256xf32>
      %convert_element_type3A_24 = arith.truncf %dot_general3A_23 : vector<200x256xf32> to vector<200x256xbf16>
      %swap3A_25 = arith.constant 0 : index
      %swap3A_26 = arith.constant 0 : index
      %swap3A_27 = vector.load %arg12[%swap3A_25, %swap3A_26] : memref<200x256xbf16, #tpu.memory_space<vmem>>, vector<200x256xbf16>
      tpu.vector_store %arg12[%swap3A_25, %swap3A_26], %convert_element_type3A_24 {strides = array<i32>} : memref<200x256xbf16, #tpu.memory_space<vmem>>, vector<200x256xbf16>,
      %get3A_28 = arith.constant 0 : index
      %get3A_29 = arith.constant 0 : index
      %get3A_30 = vector.load %arg4[%get3A_28, %get3A_29] : memref<128x128xf32, #tpu.memory_space<vmem>>, vector<128x128xf32>
      %dot_general3A_31 = arith.constant dense<0.000000e+00> : vector<128x128xf32>
      %dot_general3A_32 = tpu.matmul %get3A_12, %get3A_30, %dot_general3A_31 {dimension_numbers = #tpu.dot_dimension_numbers<[1], [0], [0], [1], [0, 0, 1, 1], [], []>, transpose_lhs_hint = false} : vector<128x128xf32>, vector<128x128xf32>, vector<128x128xf32> -> vector<128x128xf32>
      %convert_element_type3A_33 = arith.truncf %dot_general3A_32 : vector<128x128xf32> to vector<128x128xbf16>
      %swap3A_34 = arith.constant 0 : index
      %swap3A_35 = arith.constant 0 : index
      %swap3A_36 = arith.constant 0 : index
      %swap3A_37 = vector.load %arg13[%swap3A_34, %swap3A_35, %swap3A_36] : memref<2x256x128xbf16, #tpu.memory_space<vmem>>, vector<1x128x128xbf16>
      %swap3A_38 = vector.shape_cast %swap3A_37 : vector<1x128x128xbf16> to vector<128x128xbf16>
      %swap3A_39 = vector.shape_cast %convert_element_type3A_33 : vector<128x128xbf16> to vector<1x128x128xbf16>
      tpu.vector_store %arg13[%swap3A_34, %swap3A_35, %swap3A_36], %swap3A_39 {strides = array<i32>} : memref<2x256x128xbf16, #tpu.memory_space<vmem>>, vector<1x128x128xbf16>,
      %get3A_40 = arith.constant 0 : index
      %get3A_41 = arith.constant 0 : index
      %get3A_42 = vector.load %arg4[%get3A_40, %get3A_41] : memref<128x128xf32, #tpu.memory_space<vmem>>, vector<128x128xf32>
      %dot_general3A_43 = arith.constant dense<0.000000e+00> : vector<128x128xf32>
      %dot_general3A_44 = tpu.matmul %get3A_15, %get3A_42, %dot_general3A_43 {dimension_numbers = #tpu.dot_dimension_numbers<[1], [0], [0], [1], [0, 0, 1, 1], [], []>, transpose_lhs_hint = false} : vector<128x128xf32>, vector<128x128xf32>, vector<128x128xf32> -> vector<128x128xf32>
      %convert_element_type3A_45 = arith.truncf %dot_general3A_44 : vector<128x128xf32> to vector<128x128xbf16>
      %swap3A_46 = arith.constant 0 : index
      %swap3A_47 = arith.constant 128 : index
      %swap3A_48 = arith.constant 0 : index
      %swap3A_49 = vector.load %arg13[%swap3A_46, %swap3A_47, %swap3A_48] : memref<2x256x128xbf16, #tpu.memory_space<vmem>>, vector<1x128x128xbf16>
      %swap3A_50 = vector.shape_cast %swap3A_49 : vector<1x128x128xbf16> to vector<128x128xbf16>
      %swap3A_51 = vector.shape_cast %convert_element_type3A_45 : vector<128x128xbf16> to vector<1x128x128xbf16>
      tpu.vector_store %arg13[%swap3A_46, %swap3A_47, %swap3A_48], %swap3A_51 {strides = array<i32>} : memref<2x256x128xbf16, #tpu.memory_space<vmem>>, vector<1x128x128xbf16>,
      %get3A_52 = arith.constant 0 : index
      %get3A_53 = arith.constant 0 : index
      %get3A_54 = vector.load %arg5[%get3A_52, %get3A_53] : memref<128x128xf32, #tpu.memory_space<vmem>>, vector<128x128xf32>
      %dot_general3A_55 = arith.constant dense<0.000000e+00> : vector<128x128xf32>
      %dot_general3A_56 = tpu.matmul %get3A_12, %get3A_54, %dot_general3A_55 {dimension_numbers = #tpu.dot_dimension_numbers<[1], [0], [0], [1], [0, 0, 1, 1], [], []>, transpose_lhs_hint = false} : vector<128x128xf32>, vector<128x128xf32>, vector<128x128xf32> -> vector<128x128xf32>
      %convert_element_type3A_57 = arith.truncf %dot_general3A_56 : vector<128x128xf32> to vector<128x128xbf16>
      %swap3A_58 = arith.constant 1 : index
      %swap3A_59 = arith.constant 0 : index
      %swap3A_60 = arith.constant 0 : index
      %swap3A_61 = vector.load %arg13[%swap3A_58, %swap3A_59, %swap3A_60] : memref<2x256x128xbf16, #tpu.memory_space<vmem>>, vector<1x128x128xbf16>
      %swap3A_62 = vector.shape_cast %swap3A_61 : vector<1x128x128xbf16> to vector<128x128xbf16>
      %swap3A_63 = vector.shape_cast %convert_element_type3A_57 : vector<128x128xbf16> to vector<1x128x128xbf16>
      tpu.vector_store %arg13[%swap3A_58, %swap3A_59, %swap3A_60], %swap3A_63 {strides = array<i32>} : memref<2x256x128xbf16, #tpu.memory_space<vmem>>, vector<1x128x128xbf16>,
      %get3A_64 = arith.constant 0 : index
      %get3A_65 = arith.constant 0 : index
      %get3A_66 = vector.load %arg5[%get3A_64, %get3A_65] : memref<128x128xf32, #tpu.memory_space<vmem>>, vector<128x128xf32>
      %dot_general3A_67 = arith.constant dense<0.000000e+00> : vector<128x128xf32>
      %dot_general3A_68 = tpu.matmul %get3A_15, %get3A_66, %dot_general3A_67 {dimension_numbers = #tpu.dot_dimension_numbers<[1], [0], [0], [1], [0, 0, 1, 1], [], []>, transpose_lhs_hint = false} : vector<128x128xf32>, vector<128x128xf32>, vector<128x128xf32> -> vector<128x128xf32>
      %convert_element_type3A_69 = arith.truncf %dot_general3A_68 : vector<128x128xf32> to vector<128x128xbf16>
      %swap3A_70 = arith.constant 1 : index
      %swap3A_71 = arith.constant 128 : index
      %swap3A_72 = arith.constant 0 : index
      %swap3A_73 = vector.load %arg13[%swap3A_70, %swap3A_71, %swap3A_72] : memref<2x256x128xbf16, #tpu.memory_space<vmem>>, vector<1x128x128xbf16>
      %swap3A_74 = vector.shape_cast %swap3A_73 : vector<1x128x128xbf16> to vector<128x128xbf16>
      %swap3A_75 = vector.shape_cast %convert_element_type3A_69 : vector<128x128xbf16> to vector<1x128x128xbf16>
      tpu.vector_store %arg13[%swap3A_70, %swap3A_71, %swap3A_72], %swap3A_75 {strides = array<i32>} : memref<2x256x128xbf16, #tpu.memory_space<vmem>>, vector<1x128x128xbf16>,
      %get3A_76 = arith.constant 0 : index
      %get3A_77 = arith.constant 0 : index
      %get3A_78 = vector.load %arg3[%get3A_76, %get3A_77] : memref<1x128xf32, #tpu.memory_space<vmem>>, vector<1x128xf32>
      %get3A_79 = arith.constant 0 : index
      %get3A_80 = arith.constant 0 : index
      %get3A_81 = vector.load %arg8[%get3A_79, %get3A_80] : memref<128x256xf32, #tpu.memory_space<vmem>>, vector<128x256xf32>
      %dot_general3A_82 = arith.constant dense<0.000000e+00> : vector<1x256xf32>
      %dot_general3A_83 = tpu.matmul %get3A_78, %get3A_81, %dot_general3A_82 {dimension_numbers = #tpu.dot_dimension_numbers<[1], [0], [0], [1], [0, 0, 1, 1], [], []>, transpose_lhs_hint = false} : vector<1x128xf32>, vector<128x256xf32>, vector<1x256xf32> -> vector<1x256xf32>
      %get3A_84 = arith.constant 0 : index
      %get3A_85 = arith.constant 0 : index
      %get3A_86 = vector.load %arg6[%get3A_84, %get3A_85] : memref<128x128xf32, #tpu.memory_space<vmem>>, vector<128x128xf32>
      %dot_general3A_87 = arith.constant dense<0.000000e+00> : vector<128x128xf32>
      %dot_general3A_88 = tpu.matmul %get3A_12, %get3A_86, %dot_general3A_87 {dimension_numbers = #tpu.dot_dimension_numbers<[1], [0], [0], [1], [0, 0, 1, 1], [], []>, transpose_lhs_hint = false} : vector<128x128xf32>, vector<128x128xf32>, vector<128x128xf32> -> vector<128x128xf32>
      %get3A_89 = arith.constant 0 : index
      %get3A_90 = arith.constant 0 : index
      %get3A_91 = vector.load %arg6[%get3A_89, %get3A_90] : memref<128x128xf32, #tpu.memory_space<vmem>>, vector<128x128xf32>
      %dot_general3A_92 = arith.constant dense<0.000000e+00> : vector<128x128xf32>
      %dot_general3A_93 = tpu.matmul %get3A_15, %get3A_91, %dot_general3A_92 {dimension_numbers = #tpu.dot_dimension_numbers<[1], [0], [0], [1], [0, 0, 1, 1], [], []>, transpose_lhs_hint = false} : vector<128x128xf32>, vector<128x128xf32>, vector<128x128xf32> -> vector<128x128xf32>
      %slice3A = vector.extract_strided_slice %dot_general3A_83 {offsets = [0, 0], sizes = [1, 128], strides = [1, 1]} : vector<1x256xf32> to vector<1x128xf32>
      %squeeze3A = vector.shape_cast %slice3A : vector<1x128xf32> to vector<128xf32>
      %broadcast_in_dim3A = vector.shape_cast %squeeze3A : vector<128xf32> to vector<128x1xf32>
      %mul3A = vector.broadcast %broadcast_in_dim3A : vector<128x1xf32> to vector<128x128xf32>
      %mul3A_94 = arith.mulf %mul3A, %dot_general3A_88 : vector<128x128xf32>
      %slice3A_95 = vector.extract_strided_slice %dot_general3A_83 {offsets = [0, 128], sizes = [1, 128], strides = [1, 1]} : vector<1x256xf32> to vector<1x128xf32>
      %squeeze3A_96 = vector.shape_cast %slice3A_95 : vector<1x128xf32> to vector<128xf32>
      %broadcast_in_dim3A_97 = vector.shape_cast %squeeze3A_96 : vector<128xf32> to vector<128x1xf32>
      %mul3A_98 = vector.broadcast %broadcast_in_dim3A_97 : vector<128x1xf32> to vector<128x128xf32>
      %mul3A_99 = arith.mulf %mul3A_98, %dot_general3A_93 : vector<128x128xf32>
      %add3A = arith.addf %mul3A_94, %mul3A_99 : vector<128x128xf32>
      %swap3A_100 = arith.constant 0 : index
      %swap3A_101 = arith.constant 0 : index
      %swap3A_102 = vector.load %arg14[%swap3A_100, %swap3A_101] : memref<128x128xf32, #tpu.memory_space<vmem>>, vector<128x128xf32>
      tpu.vector_store %arg14[%swap3A_100, %swap3A_101], %add3A {strides = array<i32>} : memref<128x128xf32, #tpu.memory_space<vmem>>, vector<128x128xf32>,
      %get3A_103 = arith.constant 0 : index
      %get3A_104 = arith.constant 0 : index
      %get3A_105 = vector.load %arg2[%get3A_103, %get3A_104] : memref<200x128xf32, #tpu.memory_space<vmem>>, vector<200x128xf32>
      %get3A_106 = arith.constant 0 : index
      %get3A_107 = arith.constant 0 : index
      %get3A_108 = vector.load %arg7[%get3A_106, %get3A_107] : memref<128x128xf32, #tpu.memory_space<vmem>>, vector<128x128xf32>
      %dot_general3A_109 = arith.constant dense<0.000000e+00> : vector<200x128xf32>
      %dot_general3A_110 = tpu.matmul %get3A_105, %get3A_108, %dot_general3A_109 {dimension_numbers = #tpu.dot_dimension_numbers<[1], [0], [0], [1], [0, 0, 1, 1], [], []>, transpose_lhs_hint = false} : vector<200x128xf32>, vector<128x128xf32>, vector<200x128xf32> -> vector<200x128xf32>
      %swap3A_111 = arith.constant 0 : index
      %swap3A_112 = arith.constant 0 : index
      %swap3A_113 = vector.load %arg15[%swap3A_111, %swap3A_112] : memref<200x128xf32, #tpu.memory_space<vmem>>, vector<200x128xf32>
      tpu.vector_store %arg15[%swap3A_111, %swap3A_112], %dot_general3A_110 {strides = array<i32>} : memref<200x128xf32, #tpu.memory_space<vmem>>, vector<200x128xf32>,
    } else {
    }
    return
  }
  func.func @transform_0(%arg0: i32) -> (i32, i32) {
    %c0_i32 = arith.constant 0 : i32
    %c0_i32_0 = arith.constant 0 : i32
    return %arg0, %c0_i32 : i32, i32
  }
  func.func @transform_1(%arg0: i32) -> (i32, i32) {
    %c0_i32 = arith.constant 0 : i32
    %c0_i32_0 = arith.constant 0 : i32
    %c0_i32_1 = arith.constant 0 : i32
    return %c0_i32, %c0_i32_0 : i32, i32
  }
  func.func @transform_2(%arg0: i32) -> (i32, i32) {
    %c0_i32 = arith.constant 0 : i32
    %c0_i32_0 = arith.constant 0 : i32
    %c0_i32_1 = arith.constant 0 : i32
    return %c0_i32, %c0_i32_0 : i32, i32
  }
  func.func @transform_3(%arg0: i32) -> (i32, i32) {
    %c0_i32 = arith.constant 0 : i32
    %c0_i32_0 = arith.constant 0 : i32
    %c0_i32_1 = arith.constant 0 : i32
    return %c0_i32, %c0_i32_0 : i32, i32
  }
  func.func @transform_4(%arg0: i32) -> (i32, i32) {
    %c0_i32 = arith.constant 0 : i32
    %c0_i32_0 = arith.constant 0 : i32
    %c0_i32_1 = arith.constant 0 : i32
    return %c0_i32, %c0_i32_0 : i32, i32
  }
  func.func @transform_5(%arg0: i32) -> (i32, i32) {
    %c0_i32 = arith.constant 0 : i32
    %c0_i32_0 = arith.constant 0 : i32
    %c0_i32_1 = arith.constant 0 : i32
    return %c0_i32, %c0_i32_0 : i32, i32
  }
  func.func @transform_6(%arg0: i32) -> (i32, i32) {
    %c0_i32 = arith.constant 0 : i32
    %c0_i32_0 = arith.constant 0 : i32
    %c0_i32_1 = arith.constant 0 : i32
    return %c0_i32, %c0_i32_0 : i32, i32
  }
  func.func @transform_7(%arg0: i32) -> (i32, i32) {
    %c0_i32 = arith.constant 0 : i32
    %c0_i32_0 = arith.constant 0 : i32
    %c0_i32_1 = arith.constant 0 : i32
    return %c0_i32, %c0_i32_0 : i32, i32
  }
  func.func @transform_8(%arg0: i32) -> (i32, i32) {
    %c0_i32 = arith.constant 0 : i32
    %c0_i32_0 = arith.constant 0 : i32
    %c0_i32_1 = arith.constant 0 : i32
    return %c0_i32, %c0_i32_0 : i32, i32
  }
  func.func @transform_9(%arg0: i32) -> (i32, i32) {
    %c0_i32 = arith.constant 0 : i32
    %c0_i32_0 = arith.constant 0 : i32
    %c0_i32_1 = arith.constant 0 : i32
    return %c0_i32, %c0_i32_0 : i32, i32
  }
  func.func @transform_10(%arg0: i32) -> (i32, i32) {
    %c0_i32 = arith.constant 0 : i32
    %c0_i32_0 = arith.constant 0 : i32
    return %arg0, %c0_i32 : i32, i32
  }
  func.func @transform_11(%arg0: i32) -> (i32, i32) {
    %c0_i32 = arith.constant 0 : i32
    %c0_i32_0 = arith.constant 0 : i32
    %c0_i32_1 = arith.constant 0 : i32
    return %c0_i32, %c0_i32_0 : i32, i32
  }
  func.func @transform_12(%arg0: i32) -> (i32, i32, i32) {
    %c0_i32 = arith.constant 0 : i32
    %c0_i32_0 = arith.constant 0 : i32
    %c0_i32_1 = arith.constant 0 : i32
    %c0_i32_2 = arith.constant 0 : i32
    return %c0_i32, %c0_i32_0, %c0_i32_1 : i32, i32, i32
  }
  func.func @transform_13(%arg0: i32) -> (i32, i32) {
    %c0_i32 = arith.constant 0 : i32
    %c0_i32_0 = arith.constant 0 : i32
    %c0_i32_1 = arith.constant 0 : i32
    return %c0_i32, %c0_i32_0 : i32, i32
  }
  func.func @transform_14(%arg0: i32) -> (i32, i32) {
    %c0_i32 = arith.constant 0 : i32
    %c0_i32_0 = arith.constant 0 : i32
    %c0_i32_1 = arith.constant 0 : i32
    return %c0_i32, %c0_i32_0 : i32, i32
  }
}

module attributes {stable_mosaic.version = 14 : i64} {
  func.func @_msg_body(%arg0: i32, %arg1: memref<8000x128xf32, #tpu.memory_space<vmem>>, %arg2: memref<1x1x8000xi32, #tpu.memory_space<vmem>>, %arg3: memref<1x1x8000xf32, #tpu.memory_space<vmem>>, %arg4: memref<200x256xbf16, #tpu.memory_space<vmem>>, %arg5: memref<1x256x128xbf16, #tpu.memory_space<vmem>>, %arg6: memref<8000x128xf32, #tpu.memory_space<vmem>>) attributes {dimension_semantics = [#tpu.dimension_semantics<arbitrary>], iteration_bounds = array<i64: 40>, scalar_prefetch = 0 : i64, scratch_operands = 0 : i64, tpu.core_type = #tpu.core_type<tc>, window_params = [{transform_indices = @transform_0, window_bounds = array<i64: 8000, 128>}, {transform_indices = @transform_1, window_bounds = array<i64: 1, 1, 8000>}, {transform_indices = @transform_2, window_bounds = array<i64: 1, 1, 8000>}, {pipeline_mode = #tpu.pipeline_mode<synchronous>, transform_indices = @transform_3, window_bounds = array<i64: 200, 256>}, {transform_indices = @transform_4, window_bounds = array<i64: 1, 256, 128>}, {transform_indices = @transform_5, window_bounds = array<i64: 8000, 128>}]} {
    %get3A = arith.constant 0 : index
    %get3A_0 = arith.constant 0 : index
    %get3A_1 = arith.constant 0 : index
    %get3A_2 = vector.load %arg2[%get3A, %get3A_0, %get3A_1] : memref<1x1x8000xi32, #tpu.memory_space<vmem>>, vector<1x1x8000xi32>
    %get3A_3 = vector.shape_cast %get3A_2 : vector<1x1x8000xi32> to vector<1x8000xi32>
    %get3A_4 = arith.constant 0 : index
    %get3A_5 = arith.constant 0 : index
    %get3A_6 = arith.constant 0 : index
    %get3A_7 = vector.load %arg3[%get3A_4, %get3A_5, %get3A_6] : memref<1x1x8000xf32, #tpu.memory_space<vmem>>, vector<1x1x8000xf32>
    %get3A_8 = vector.shape_cast %get3A_7 : vector<1x1x8000xf32> to vector<1x8000xf32>
    %iota3A = tpu.iota {dimensions = array<i32: 0>} : vector<200x8000xi32>
    %broadcast_in_dim3A = vector.shape_cast %get3A_3 : vector<1x8000xi32> to vector<1x8000xi32>
    %broadcast_in_dim3A_9 = vector.broadcast %broadcast_in_dim3A : vector<1x8000xi32> to vector<200x8000xi32>
    %broadcast_in_dim3A_10 = vector.shape_cast %get3A_8 : vector<1x8000xf32> to vector<1x8000xf32>
    %broadcast_in_dim3A_11 = vector.broadcast %broadcast_in_dim3A_10 : vector<1x8000xf32> to vector<200x8000xf32>
    %eq3A = arith.cmpi eq, %broadcast_in_dim3A_9, %iota3A : vector<200x8000xi32>
    %jit3A = arith.constant 0.000000e+00 : f32
    %broadcast_in_dim3A_12 = vector.broadcast %jit3A : f32 to vector<200x8000xf32>
    %select_n3A = arith.select %eq3A, %broadcast_in_dim3A_11, %broadcast_in_dim3A_12 : vector<200x8000xi1>, vector<200x8000xf32>
    %convert_element_type3A = arith.truncf %select_n3A : vector<200x8000xf32> to vector<200x8000xbf16>
    %get3A_13 = arith.constant 0 : index
    %get3A_14 = arith.constant 0 : index
    %get3A_15 = vector.load %arg4[%get3A_13, %get3A_14] : memref<200x256xbf16, #tpu.memory_space<vmem>>, vector<200x256xbf16>
    %dot_general3A = arith.constant dense<0.000000e+00> : vector<8000x256xf32>
    %dot_general3A_16 = tpu.matmul %convert_element_type3A, %get3A_15, %dot_general3A {dimension_numbers = #tpu.dot_dimension_numbers<[0], [0], [1], [1], [0, 1, 1, 1], [], []>, transpose_lhs_hint = false} : vector<200x8000xbf16>, vector<200x256xbf16>, vector<8000x256xf32> -> vector<8000x256xf32>
    %get3A_17 = arith.constant 0 : index
    %get3A_18 = arith.constant 0 : index
    %get3A_19 = vector.load %arg1[%get3A_17, %get3A_18] : memref<8000x128xf32, #tpu.memory_space<vmem>>, vector<8000x128xf32>
    %slice3A = vector.extract_strided_slice %dot_general3A_16 {offsets = [0, 0], sizes = [8000, 128], strides = [1, 1]} : vector<8000x256xf32> to vector<8000x128xf32>
    %mul3A = arith.mulf %get3A_19, %slice3A : vector<8000x128xf32>
    %convert_element_type3A_20 = arith.truncf %mul3A : vector<8000x128xf32> to vector<8000x128xbf16>
    %slice3A_21 = vector.extract_strided_slice %dot_general3A_16 {offsets = [0, 128], sizes = [8000, 128], strides = [1, 1]} : vector<8000x256xf32> to vector<8000x128xf32>
    %mul3A_22 = arith.mulf %get3A_19, %slice3A_21 : vector<8000x128xf32>
    %convert_element_type3A_23 = arith.truncf %mul3A_22 : vector<8000x128xf32> to vector<8000x128xbf16>
    %concatenate3A = tpu.concatenate %convert_element_type3A_20, %convert_element_type3A_23 in 1 : vector<8000x128xbf16>, vector<8000x128xbf16> -> vector<8000x256xbf16>
    %get3A_24 = arith.constant 0 : index
    %get3A_25 = arith.constant 0 : index
    %get3A_26 = arith.constant 0 : index
    %get3A_27 = vector.load %arg5[%get3A_24, %get3A_25, %get3A_26] : memref<1x256x128xbf16, #tpu.memory_space<vmem>>, vector<1x256x128xbf16>
    %get3A_28 = vector.shape_cast %get3A_27 : vector<1x256x128xbf16> to vector<256x128xbf16>
    %dot_general3A_29 = arith.constant dense<0.000000e+00> : vector<8000x128xf32>
    %dot_general3A_30 = tpu.matmul %concatenate3A, %get3A_28, %dot_general3A_29 {dimension_numbers = #tpu.dot_dimension_numbers<[1], [0], [0], [1], [0, 0, 1, 1], [], []>, transpose_lhs_hint = false} : vector<8000x256xbf16>, vector<256x128xbf16>, vector<8000x128xf32> -> vector<8000x128xf32>
    %swap3A = arith.constant 0 : index
    %swap3A_31 = arith.constant 0 : index
    %swap3A_32 = vector.load %arg6[%swap3A, %swap3A_31] : memref<8000x128xf32, #tpu.memory_space<vmem>>, vector<8000x128xf32>
    tpu.vector_store %arg6[%swap3A, %swap3A_31], %dot_general3A_30 {strides = array<i32>} : memref<8000x128xf32, #tpu.memory_space<vmem>>, vector<8000x128xf32>,
    return
  }
  func.func @transform_0(%arg0: i32) -> (i32, i32) {
    %c0_i32 = arith.constant 0 : i32
    %c0_i32_0 = arith.constant 0 : i32
    return %arg0, %c0_i32 : i32, i32
  }
  func.func @transform_1(%arg0: i32) -> (i32, i32, i32) {
    %c0_i32 = arith.constant 0 : i32
    %c0_i32_0 = arith.constant 0 : i32
    %c0_i32_1 = arith.constant 0 : i32
    return %arg0, %c0_i32, %c0_i32_0 : i32, i32, i32
  }
  func.func @transform_2(%arg0: i32) -> (i32, i32, i32) {
    %c0_i32 = arith.constant 0 : i32
    %c0_i32_0 = arith.constant 0 : i32
    %c0_i32_1 = arith.constant 0 : i32
    return %arg0, %c0_i32, %c0_i32_0 : i32, i32, i32
  }
  func.func @transform_3(%arg0: i32) -> (i32, i32) {
    %c0_i32 = arith.constant 0 : i32
    %c0_i32_0 = arith.constant 0 : i32
    %c0_i32_1 = arith.constant 0 : i32
    return %c0_i32, %c0_i32_0 : i32, i32
  }
  func.func @transform_4(%arg0: i32) -> (i32, i32, i32) {
    %jit3A = arith.constant 20 : i32
    %div3A = arith.divsi %arg0, %jit3A : i32
    %sign3A = arith.constant 0 : i32
    %sign3A_0 = arith.cmpi sgt, %arg0, %sign3A : i32
    %sign3A_1 = arith.extui %sign3A_0 : i1 to i32
    %sign3A_2 = arith.constant 0 : i32
    %sign3A_3 = arith.cmpi slt, %arg0, %sign3A_2 : i32
    %sign3A_4 = arith.extui %sign3A_3 : i1 to i32
    %sign3A_5 = arith.subi %sign3A_1, %sign3A_4 : i32
    %sign3A_6 = arith.constant 0 : i32
    %sign3A_7 = arith.cmpi sgt, %jit3A, %sign3A_6 : i32
    %sign3A_8 = arith.extui %sign3A_7 : i1 to i32
    %sign3A_9 = arith.constant 0 : i32
    %sign3A_10 = arith.cmpi slt, %jit3A, %sign3A_9 : i32
    %sign3A_11 = arith.extui %sign3A_10 : i1 to i32
    %sign3A_12 = arith.subi %sign3A_8, %sign3A_11 : i32
    %ne3A = arith.cmpi ne, %sign3A_5, %sign3A_12 : i32
    %rem3A = arith.remsi %arg0, %jit3A : i32
    %ne3A_13 = arith.constant 0 : i32
    %ne3A_14 = arith.cmpi ne, %rem3A, %ne3A_13 : i32
    %and3A = arith.andi %ne3A, %ne3A_14 : i1
    %sub3A = arith.constant 1 : i32
    %sub3A_15 = arith.subi %div3A, %sub3A : i32
    %select_n3A = arith.select %and3A, %sub3A_15, %div3A : i32
    %c0_i32 = arith.constant 0 : i32
    %c0_i32_16 = arith.constant 0 : i32
    %c0_i32_17 = arith.constant 0 : i32
    return %select_n3A, %c0_i32, %c0_i32_16 : i32, i32, i32
  }
  func.func @transform_5(%arg0: i32) -> (i32, i32) {
    %c0_i32 = arith.constant 0 : i32
    %c0_i32_0 = arith.constant 0 : i32
    return %arg0, %c0_i32 : i32, i32
  }
}

module attributes {stable_mosaic.version = 14 : i64} {
  func.func @_fin_body(%arg0: i32, %arg1: memref<2x1000x128xf32, #tpu.memory_space<vmem>>, %arg2: memref<1000x128xf32, #tpu.memory_space<vmem>>, %arg3: memref<128x128xf32, #tpu.memory_space<vmem>>, %arg4: memref<1x128xf32, #tpu.memory_space<vmem>>, %arg5: memref<1x128xf32, #tpu.memory_space<vmem>>, %arg6: memref<1x128xf32, #tpu.memory_space<vmem>>, %arg7: memref<1000x128xf32, #tpu.memory_space<vmem>>, %arg8: memref<10000x128xf32, #tpu.memory_space<vmem>>, %arg9: memref<8x128xf32, #tpu.memory_space<vmem>>) attributes {dimension_semantics = [#tpu.dimension_semantics<arbitrary>], iteration_bounds = array<i64: 20>, scalar_prefetch = 0 : i64, scratch_operands = 2 : i64, tpu.core_type = #tpu.core_type<tc>, window_params = [{transform_indices = @transform_0, window_bounds = array<i64: 2, 1000, 128>}, {transform_indices = @transform_1, window_bounds = array<i64: 1000, 128>}, {pipeline_mode = #tpu.pipeline_mode<synchronous>, transform_indices = @transform_2, window_bounds = array<i64: 128, 128>}, {pipeline_mode = #tpu.pipeline_mode<synchronous>, transform_indices = @transform_3, window_bounds = array<i64: 1, 128>}, {pipeline_mode = #tpu.pipeline_mode<synchronous>, transform_indices = @transform_4, window_bounds = array<i64: 1, 128>}, {pipeline_mode = #tpu.pipeline_mode<synchronous>, transform_indices = @transform_5, window_bounds = array<i64: 1, 128>}, {transform_indices = @transform_6, window_bounds = array<i64: 1000, 128>}]} {
    %lt3A = arith.constant 10 : i32
    %lt3A_0 = arith.cmpi slt, %arg0, %lt3A : i32
    %convert_element_type3A = arith.extui %lt3A_0 : i1 to i32
    %cond3A = arith.constant 0 : i32
    %cond3A_1 = arith.cmpi ne, %convert_element_type3A, %cond3A : i32
    scf.if %cond3A_1 {
      %get3A = arith.constant 0 : index
      %get3A_6 = arith.constant 0 : index
      %get3A_7 = vector.load %arg2[%get3A, %get3A_6] : memref<1000x128xf32, #tpu.memory_space<vmem>>, vector<1000x128xf32>
      %get3A_8 = arith.constant 0 : index
      %get3A_9 = arith.constant 0 : index
      %get3A_10 = vector.load %arg3[%get3A_8, %get3A_9] : memref<128x128xf32, #tpu.memory_space<vmem>>, vector<128x128xf32>
      %dot_general3A = arith.constant dense<0.000000e+00> : vector<1000x128xf32>
      %dot_general3A_11 = tpu.matmul %get3A_7, %get3A_10, %dot_general3A {dimension_numbers = #tpu.dot_dimension_numbers<[1], [0], [0], [1], [0, 0, 1, 1], [], []>, transpose_lhs_hint = false} : vector<1000x128xf32>, vector<128x128xf32>, vector<1000x128xf32> -> vector<1000x128xf32>
      %get3A_12 = arith.constant 0 : index
      %get3A_13 = arith.constant 0 : index
      %get3A_14 = arith.constant 0 : index
      %get3A_15 = vector.load %arg1[%get3A_12, %get3A_13, %get3A_14] : memref<2x1000x128xf32, #tpu.memory_space<vmem>>, vector<1x1000x128xf32>
      %get3A_16 = vector.shape_cast %get3A_15 : vector<1x1000x128xf32> to vector<1000x128xf32>
      %get3A_17 = arith.constant 1 : index
      %get3A_18 = arith.constant 0 : index
      %get3A_19 = arith.constant 0 : index
      %get3A_20 = vector.load %arg1[%get3A_17, %get3A_18, %get3A_19] : memref<2x1000x128xf32, #tpu.memory_space<vmem>>, vector<1x1000x128xf32>
      %get3A_21 = vector.shape_cast %get3A_20 : vector<1x1000x128xf32> to vector<1000x128xf32>
      %add3A = arith.addf %get3A_16, %get3A_21 : vector<1000x128xf32>
      %add3A_22 = arith.addf %add3A, %dot_general3A_11 : vector<1000x128xf32>
      %mul3A = arith.constant 0.333333343 : f32
      %mul3A_23 = vector.broadcast %mul3A : f32 to vector<1000x128xf32>
      %mul3A_24 = arith.mulf %add3A_22, %mul3A_23 : vector<1000x128xf32>
      %get3A_25 = arith.constant 0 : index
      %get3A_26 = arith.constant 0 : index
      %get3A_27 = vector.load %arg4[%get3A_25, %get3A_26] : memref<1x128xf32, #tpu.memory_space<vmem>>, vector<1x128xf32>
      %add3A_28 = vector.broadcast %get3A_27 : vector<1x128xf32> to vector<1000x128xf32>
      %add3A_29 = arith.addf %mul3A_24, %add3A_28 : vector<1000x128xf32>
      %rem3A = arith.constant 10 : i32
      %rem3A_30 = arith.remsi %arg0, %rem3A : i32
      %mul3A_31 = arith.constant 1000 : i32
      %mul3A_32 = arith.muli %rem3A_30, %mul3A_31 : i32
      %swap3A = arith.index_cast %mul3A_32 : i32 to index
      %swap3A_33 = arith.constant 0 : index
      %swap3A_34 = vector.load %arg8[%swap3A, %swap3A_33] : memref<10000x128xf32, #tpu.memory_space<vmem>>, vector<1000x128xf32>
      tpu.vector_store %arg8[%swap3A, %swap3A_33], %add3A_29 {strides = array<i32>} : memref<10000x128xf32, #tpu.memory_space<vmem>>, vector<1000x128xf32>,
      %reduce_sum3A = arith.constant dense<0.000000e+00> : vector<128xf32>
      %reduce_sum3A_35 = vector.multi_reduction <add>, %add3A_29, %reduce_sum3A [0] : vector<1000x128xf32> to vector<128xf32>
      %broadcast_in_dim3A = vector.shape_cast %reduce_sum3A_35 : vector<128xf32> to vector<1x128xf32>
      %mul3A_36 = arith.mulf %add3A_29, %add3A_29 : vector<1000x128xf32>
      %reduce_sum3A_37 = arith.constant dense<0.000000e+00> : vector<128xf32>
      %reduce_sum3A_38 = vector.multi_reduction <add>, %mul3A_36, %reduce_sum3A_37 [0] : vector<1000x128xf32> to vector<128xf32>
      %broadcast_in_dim3A_39 = vector.shape_cast %reduce_sum3A_38 : vector<128xf32> to vector<1x128xf32>
      %broadcast_in_dim3A_40 = arith.constant 0.000000e+00 : f32
      %broadcast_in_dim3A_41 = vector.broadcast %broadcast_in_dim3A_40 : f32 to vector<6x128xf32>
      %concatenate3A = tpu.concatenate %broadcast_in_dim3A, %broadcast_in_dim3A_39, %broadcast_in_dim3A_41 in 0 : vector<1x128xf32>, vector<1x128xf32>, vector<6x128xf32> -> vector<8x128xf32>
      %eq3A = arith.constant 0 : i32
      %eq3A_42 = arith.cmpi eq, %arg0, %eq3A : i32
      %convert_element_type3A_43 = arith.extui %eq3A_42 : i1 to i32
      %cond3A_44 = arith.constant 0 : i32
      %cond3A_45 = arith.cmpi ne, %convert_element_type3A_43, %cond3A_44 : i32
      scf.if %cond3A_45 {
        %broadcast_in_dim3A_53 = arith.constant 0.000000e+00 : f32
        %broadcast_in_dim3A_54 = vector.broadcast %broadcast_in_dim3A_53 : f32 to vector<8x128xf32>
        %swap3A_55 = arith.constant 0 : index
        %swap3A_56 = arith.constant 0 : index
        %swap3A_57 = vector.load %arg9[%swap3A_55, %swap3A_56] : memref<8x128xf32, #tpu.memory_space<vmem>>, vector<8x128xf32>
        tpu.vector_store %arg9[%swap3A_55, %swap3A_56], %broadcast_in_dim3A_54 {strides = array<i32>} : memref<8x128xf32, #tpu.memory_space<vmem>>, vector<8x128xf32>,
      } else {
      }
      %get3A_46 = arith.constant 0 : index
      %get3A_47 = arith.constant 0 : index
      %get3A_48 = vector.load %arg9[%get3A_46, %get3A_47] : memref<8x128xf32, #tpu.memory_space<vmem>>, vector<8x128xf32>
      %add3A_49 = arith.addf %get3A_48, %concatenate3A : vector<8x128xf32>
      %swap3A_50 = arith.constant 0 : index
      %swap3A_51 = arith.constant 0 : index
      %swap3A_52 = vector.load %arg9[%swap3A_50, %swap3A_51] : memref<8x128xf32, #tpu.memory_space<vmem>>, vector<8x128xf32>
      tpu.vector_store %arg9[%swap3A_50, %swap3A_51], %add3A_49 {strides = array<i32>} : memref<8x128xf32, #tpu.memory_space<vmem>>, vector<8x128xf32>,
    } else {
    }
    %ge3A = arith.constant 10 : i32
    %ge3A_2 = arith.cmpi sge, %arg0, %ge3A : i32
    %convert_element_type3A_3 = arith.extui %ge3A_2 : i1 to i32
    %cond3A_4 = arith.constant 0 : i32
    %cond3A_5 = arith.cmpi ne, %convert_element_type3A_3, %cond3A_4 : i32
    scf.if %cond3A_5 {
      %get3A = arith.constant 0 : index
      %get3A_6 = arith.constant 0 : index
      %get3A_7 = vector.load %arg9[%get3A, %get3A_6] : memref<8x128xf32, #tpu.memory_space<vmem>>, vector<1x128xf32>
      %mul3A = arith.constant 9.99999974E-5 : f32
      %mul3A_8 = vector.broadcast %mul3A : f32 to vector<1x128xf32>
      %mul3A_9 = arith.mulf %get3A_7, %mul3A_8 : vector<1x128xf32>
      %get3A_10 = arith.constant 1 : index
      %get3A_11 = arith.constant 0 : index
      %get3A_12 = vector.load %arg9[%get3A_10, %get3A_11] : memref<8x128xf32, #tpu.memory_space<vmem>>, vector<1x128xf32>
      %mul3A_13 = arith.constant 9.99999974E-5 : f32
      %mul3A_14 = vector.broadcast %mul3A_13 : f32 to vector<1x128xf32>
      %mul3A_15 = arith.mulf %get3A_12, %mul3A_14 : vector<1x128xf32>
      %mul3A_16 = arith.mulf %mul3A_9, %mul3A_9 : vector<1x128xf32>
      %sub3A = arith.subf %mul3A_15, %mul3A_16 : vector<1x128xf32>
      %add3A = arith.constant 9.99999974E-6 : f32
      %add3A_17 = vector.broadcast %add3A : f32 to vector<1x128xf32>
      %add3A_18 = arith.addf %sub3A, %add3A_17 : vector<1x128xf32>
      %rsqrt3A = math.rsqrt %add3A_18 : vector<1x128xf32>
      %rem3A = arith.constant 10 : i32
      %rem3A_19 = arith.remsi %arg0, %rem3A : i32
      %mul3A_20 = arith.constant 1000 : i32
      %mul3A_21 = arith.muli %rem3A_19, %mul3A_20 : i32
      %get3A_22 = arith.index_cast %mul3A_21 : i32 to index
      %get3A_23 = arith.constant 0 : index
      %get3A_24 = vector.load %arg8[%get3A_22, %get3A_23] : memref<10000x128xf32, #tpu.memory_space<vmem>>, vector<1000x128xf32>
      %sub3A_25 = vector.broadcast %mul3A_9 : vector<1x128xf32> to vector<1000x128xf32>
      %sub3A_26 = arith.subf %get3A_24, %sub3A_25 : vector<1000x128xf32>
      %mul3A_27 = vector.broadcast %rsqrt3A : vector<1x128xf32> to vector<1000x128xf32>
      %mul3A_28 = arith.mulf %sub3A_26, %mul3A_27 : vector<1000x128xf32>
      %get3A_29 = arith.constant 0 : index
      %get3A_30 = arith.constant 0 : index
      %get3A_31 = vector.load %arg5[%get3A_29, %get3A_30] : memref<1x128xf32, #tpu.memory_space<vmem>>, vector<1x128xf32>
      %mul3A_32 = vector.broadcast %get3A_31 : vector<1x128xf32> to vector<1000x128xf32>
      %mul3A_33 = arith.mulf %mul3A_28, %mul3A_32 : vector<1000x128xf32>
      %get3A_34 = arith.constant 0 : index
      %get3A_35 = arith.constant 0 : index
      %get3A_36 = vector.load %arg6[%get3A_34, %get3A_35] : memref<1x128xf32, #tpu.memory_space<vmem>>, vector<1x128xf32>
      %add3A_37 = vector.broadcast %get3A_36 : vector<1x128xf32> to vector<1000x128xf32>
      %add3A_38 = arith.addf %mul3A_33, %add3A_37 : vector<1000x128xf32>
      %tanh3A = math.tanh %add3A_38 : vector<1000x128xf32>
      %swap3A = arith.constant 0 : index
      %swap3A_39 = arith.constant 0 : index
      %swap3A_40 = vector.load %arg7[%swap3A, %swap3A_39] : memref<1000x128xf32, #tpu.memory_space<vmem>>, vector<1000x128xf32>
      tpu.vector_store %arg7[%swap3A, %swap3A_39], %tanh3A {strides = array<i32>} : memref<1000x128xf32, #tpu.memory_space<vmem>>, vector<1000x128xf32>,
    } else {
    }
    return
  }
  func.func @transform_0(%arg0: i32) -> (i32, i32, i32) {
    %rem3A = arith.constant 10 : i32
    %rem3A_0 = arith.remsi %arg0, %rem3A : i32
    %c0_i32 = arith.constant 0 : i32
    %c0_i32_1 = arith.constant 0 : i32
    %c0_i32_2 = arith.constant 0 : i32
    return %c0_i32, %rem3A_0, %c0_i32_1 : i32, i32, i32
  }
  func.func @transform_1(%arg0: i32) -> (i32, i32) {
    %rem3A = arith.constant 10 : i32
    %rem3A_0 = arith.remsi %arg0, %rem3A : i32
    %c0_i32 = arith.constant 0 : i32
    %c0_i32_1 = arith.constant 0 : i32
    return %rem3A_0, %c0_i32 : i32, i32
  }
  func.func @transform_2(%arg0: i32) -> (i32, i32) {
    %c0_i32 = arith.constant 0 : i32
    %c0_i32_0 = arith.constant 0 : i32
    %c0_i32_1 = arith.constant 0 : i32
    return %c0_i32, %c0_i32_0 : i32, i32
  }
  func.func @transform_3(%arg0: i32) -> (i32, i32) {
    %c0_i32 = arith.constant 0 : i32
    %c0_i32_0 = arith.constant 0 : i32
    %c0_i32_1 = arith.constant 0 : i32
    return %c0_i32, %c0_i32_0 : i32, i32
  }
  func.func @transform_4(%arg0: i32) -> (i32, i32) {
    %c0_i32 = arith.constant 0 : i32
    %c0_i32_0 = arith.constant 0 : i32
    %c0_i32_1 = arith.constant 0 : i32
    return %c0_i32, %c0_i32_0 : i32, i32
  }
  func.func @transform_5(%arg0: i32) -> (i32, i32) {
    %c0_i32 = arith.constant 0 : i32
    %c0_i32_0 = arith.constant 0 : i32
    %c0_i32_1 = arith.constant 0 : i32
    return %c0_i32, %c0_i32_0 : i32, i32
  }
  func.func @transform_6(%arg0: i32) -> (i32, i32) {
    %rem3A = arith.constant 10 : i32
    %rem3A_0 = arith.remsi %arg0, %rem3A : i32
    %c0_i32 = arith.constant 0 : i32
    %c0_i32_1 = arith.constant 0 : i32
    return %rem3A_0, %c0_i32 : i32, i32
  }
}

</mosaic_0001>

<sc_bundles>
// kernel: kernel.10.cloned.1.call-start
scs
__scs_entry_jumppad:
0x0: {  	(pc) =	sbr.rel $0x88, $3  }
0x1: {  	(tag) =	ssettag $0x0;
	lr =	simm.s32 $0x1  }
0x2: {  	[smem:$0x3F94] =	sst lr;
	_ =	strace $0xD0000000  }
0x3: {  	_ = 	snop  }
0x4: {  	_ = 	snop  }
0x5: {  	_ = 	snop  }
0x6: {  	_ = 	snop  }
0x7: {  	_ = 	snop  }
__scs_overlays_trampoline_lowered:
0x8: {  	[smem:$0x3FA3] =	sst s0  }
0x9: {  	[smem:$0x3FA4] =	sst s1  }
0xa: {  	[smem:$0x3FA5] =	sst s2  }
0xb: {  	[smem:$0x3FA6] =	sst s3  }
0xc: {  	[smem:$0x3FA7] =	sst s4  }
0xd: {  	[smem:$0x3FA8] =	sst s5  }
0xe: {  	[smem:$0x3FA9] =	sst s6  }
0xf: {  	[smem:$0x3FAA] =	sst s7  }
0x10: {  	[smem:$0x3FAB] =	sst s8  }
0x11: {  	[smem:$0x3FAC] =	sst s9;
	s0 =	simm.s32 @!p0 $0x0  }
0x12: {  	s1 =	sld [smem:$0x3F92];
	s0 =	simm.s32 @p0 $0x1  }
0x13: {  	[smem:$0x3FAD] =	sst s0;
	s0 =	simm.s32 @!p1 $0x0  }
0x14: {  	s2 =	sld [smem:$0x3F91];
	s0 =	simm.s32 @p1 $0x1  }
0x15: {  	[smem:$0x3FAE] =	sst s0;
	s0 =	simm.s32 @!p2 $0x0  }
0x16: {  	s3 =	sld [smem:$0x3FDB];
	s0 =	simm.s32 @p2 $0x1  }
0x17: {  	s4 =	simm.s32 $0x1BF5;
	[smem:$0x3FB0] =	sst s0  }
0x18: {  	s0 =	sld [smem:$0x3F93];
	_ =	swait.ge [sflag:s4], $0x0  }
0x19: {  	s7 =	sld [smem:$0x3F94]  }
0x1a: {  	s8 =	sadd.s32 $0xFFFFE003, lr  }
0x1b: {  	s9 =	sadd.s32 $0xFFFFFEF7, lr;
	s5 =	simm.s32 $0xFFFFFFFF;
	p2 =	slt.u32 s8, $0xFFFFF086  }
0x1c: {  	p1 =	slt.u32 s9, $0xF7A;
	s5 =	simm.s32 @!p2 $0x0  }
0x1d: {  	s5 =	simm.s32 @p1 $0x1;
	p0 =	seq.s32 s7, s2  }
0x1e: {  	s7 =	smul.u32 @!p0 $0xF7A, s2;
	p2 =	seq.s32 @!p0 s5, $0x0  }
0x1f: {  	s9 =	smul.u32 $0xF7A, s1;
	s8 =	simm.s32 @!p0 $0x1BF5;
	p2 =	por !p2, p0  }
0x20: {  	[sflag:s8] =	ssyncset.s32 @!p0 $0xFFFFF086;
	s6 =	sadd.s32 @!p0 s3, s7;
	s7 =	simm.s32 @!p0 $0x108  }
0x21: {  	s3 =	sadd.s32 s3, s9;
	s6 =	sadd.s32 @!p0 $0x88, s6;
	s7 =	simm.s32 @p2 $0x1082  }
0x22: {  	[simem:s7], [sflag:s8] =	dma.local @!p0 [hbm:s6], $0xF7A  }
0x23: {  	s9 =	sor.u32 $0xD0000000, s2;
	s6 =	simm.s32 $0x108;
	_ =	swait.ge @!p0 [sflag:s8], $0x0  }
0x24: {  	s3 =	sadd.s32 $0x88, s3;
	s6 =	simm.s32 @!p1 $0x1082;
	[sflag:s4] =	ssyncset.s32 $0xFFFFF086  }
0x25: {  	[simem:s6], [sflag:s4] =	dma.local [hbm:s3], $0xF7A  }
0x26: {  	[smem:$0x3F94] =	sst s1;
	(tag) =	ssettag s2;
	_ =	strace s9  }
0x27: {  	s1 =	sld [smem:$0x3FA4]  }
0x28: {  	s2 =	sld [smem:$0x3FA5]  }
0x29: {  	s4 =	sld [smem:$0x3FA7]  }
0x2a: {  	p0 =	seq.s32 s5, $0x0;
	s5 =	sld [smem:$0x3FA8]  }
0x2b: {  	s6 =	sld [smem:$0x3FA9]  }
0x2c: {  	s7 =	sld [smem:$0x3FAA]  }
0x2d: {  	s3 =	simm.s32 $0x108;
	s8 =	sld [smem:$0x3FAB]  }
0x2e: {  	s3 =	simm.s32 @!p0 $0x1082;
	s9 =	sld [smem:$0x3FAC]  }
0x2f: {  	lr =	sadd.s32 s0, s3;
	s0 =	sld [smem:$0x3FA3]  }
0x30: {  	s3 =	sld [smem:$0x3FA6]  }
0x31: {  	[smem:$0x3FAF] =	sst s10  }
0x32: {  	s10 =	sld [smem:$0x3FAD];
	_ =	sdelay $0x3  }
0x33: {  	p0 =	seq.s32 s10, $0x1;
	s10 =	sld [smem:$0x3FAF];
	_ =	sdelay $0x3  }
0x34: {  	[smem:$0x3FAF] =	sst s10  }
0x35: {  	s10 =	sld [smem:$0x3FAE];
	_ =	sdelay $0x3  }
0x36: {  	p1 =	seq.s32 s10, $0x1;
	s10 =	sld [smem:$0x3FAF];
	_ =	sdelay $0x3  }
0x37: {  	[smem:$0x3FAF] =	sst s10  }
0x38: {  	s10 =	sld [smem:$0x3FB0]  }
0x39: {  	_ = 	snop;
	(pc) =	sbr.ind lr, $3  }
0x3a: {  	_ = 	snop  }
0x3b: {  	_ = 	snop  }
0x3c: {  	p2 =	seq.s32 s10, $0x1;
	s10 =	sld [smem:$0x3FAF]  }
0x3d: {  	_ =	shalt  }
0x3e: {  	_ =	shalt  }
0x3f: {  	_ =	shalt  }
0x40: {  	_ =	shalt  }
0x41: {  	_ =	shalt  }
0x42: {  	_ =	shalt  }
0x43: {  	_ =	shalt  }
0x44: {  	_ =	shalt  }
0x45: {  	_ =	shalt  }
0x46: {  	_ =	shalt  }
0x47: {  	_ =	shalt  }
0x48: {  	_ =	shalt  }
0x49: {  	_ =	shalt  }
0x4a: {  	_ =	shalt  }
0x4b: {  	_ =	shalt  }
0x4c: {  	_ =	shalt  }
0x4d: {  	_ =	shalt  }
0x4e: {  	_ =	shalt  }
0x4f: {  	_ =	shalt  }
0x50: {  	_ =	shalt  }
0x51: {  	_ =	shalt  }
0x52: {  	_ =	shalt  }
0x53: {  	_ =	shalt  }
0x54: {  	_ =	shalt  }
0x55: {  	_ =	shalt  }
0x56: {  	_ =	shalt  }
0x57: {  	_ =	shalt  }
0x58: {  	_ =	shalt  }
0x59: {  	_ =	shalt  }
0x5a: {  	_ =	shalt  }
0x5b: {  	_ =	shalt  }
0x5c: {  	_ =	shalt  }
0x5d: {  	_ =	shalt  }
0x5e: {  	_ =	shalt  }
0x5f: {  	_ =	shalt  }
0x60: {  	_ =	shalt  }
0x61: {  	_ =	shalt  }
0x62: {  	_ =	shalt  }
0x63: {  	_ =	shalt  }
0x64: {  	_ =	shalt  }
0x65: {  	_ =	shalt  }
0x66: {  	_ =	shalt  }
0x67: {  	_ =	shalt  }
0x68: {  	_ =	shalt  }
0x69: {  	_ =	shalt  }
0x6a: {  	_ =	shalt  }
0x6b: {  	_ =	shalt  }
0x6c: {  	_ =	shalt  }
0x6d: {  	_ =	shalt  }
0x6e: {  	_ =	shalt  }
0x6f: {  	_ =	shalt  }
0x70: {  	_ =	shalt  }
0x71: {  	_ =	shalt  }
0x72: {  	_ =	shalt  }
0x73: {  	_ =	shalt  }
0x74: {  	_ =	shalt  }
0x75: {  	_ =	shalt  }
0x76: {  	_ =	shalt  }
0x77: {  	_ =	shalt  }
0x78: {  	_ =	shalt  }
0x79: {  	_ =	shalt  }
0x7a: {  	_ =	shalt  }
0x7b: {  	_ =	shalt  }
0x7c: {  	_ =	shalt  }
0x7d: {  	_ =	shalt  }
0x7e: {  	_ =	shalt  }
0x7f: {  	_ =	shalt  }
0x80: {  	_ =	shalt  }
0x81: {  	_ =	shalt  }
0x82: {  	_ =	shalt  }
0x83: {  	_ =	shalt  }
0x84: {  	_ =	shalt  }
0x85: {  	_ =	shalt  }
0x86: {  	_ =	shalt  }
0x87: {  	_ =	shalt  }
.Lfunc_end0:
.L_simem_size_0:
called_computation.1_lowered:
.L_overlay_start_0:
0x88: {  	s2 =	sld [smem:$0x3FD9]  }
0x89: {  	s3 =	sld [smem:$0x3FFE];
	_ =	sdelay $0x1  }
0x8a: {  	s1 =	srdreg.scid  }
0x8b: {  	s0 =	sand.u32 $0x1, s1  }
0x8c: {  	s16 =	sshll.u32 s0, $0xA;
	s2 =	sadd.s32 s3, s2  }
0x8d: {  	s2 =	sadd.s32 s2, s16  }
0x8e: {  	[smem:$0x3FBB] =	sst s2  }
0x8f: {  	_ = 	snop  }
0x90: {  	(tm) =	ssettm $0x1  }
0x91: {  	s17 =	sld [smem:$0x3FFB];
	_ =	sdelay $0x3  }
0x92: {  	_ =	strace s17  }
0x93: {  	s2 =	sld [smem:$0x3FFC];
	_ =	sdelay $0x3  }
0x94: {  	_ =	strace s2  }
0x95: {  	s2 =	sld [smem:$0x3FFD];
	_ =	sdelay $0x3  }
0x96: {  	_ =	strace s2  }
0x97: {  	_ =	strace $0x8FFFFFFF  }
0x98: {  	s18 =	sld [smem:$0x3FDB];
	_ =	sdelay $0x1  }
0x99: {  	s19 =	simm.s32 $_scs_section_size  }
0x9a: {  	s4 =	simm.s32 $_size__tile_overlayer_lowered;
	s5 =	simm.s32 $_tile_overlayer_lowered  }
0x9b: {  	s22 =	simm.s32 $0x1BFF;
	s21 =	sshll.u32 s5, $0x1;
	s2 =	sadd.s32 s19, s18  }
0x9c: {  	s6 =	simm.s32 $0x0;
	s20 =	sshll.u32 s4, $0x1;
	s4 =	sadd.s32 s21, s2  }
0x9d: {  	[timem:s6], [sflag:s22] =	dma.local [hbm:s4], s20  }
0x9e: {  	_ =	swait.ge [sflag:s22], s20  }
0x9f: {  	s3 =	ssub.s32 $0x0, s20;
	[sflag:s22] =	ssyncset.done $0x0  }
0xa0: {  	[sflag:s22] =	ssyncadd.s32 s3;
	_ =	sdelay $0x1  }
0xa1: {  	s23 =	simm.s32 $0x1B8B  }
0xa2: {  	_ =	swait.ge [sflag:s23], $0x1  }
0xa3: {  	[sflag:s23] =	ssyncset.done $0x0  }
0xa4: {  	s25 =	simm.s32 $0x1B8E;
	s24 =	sld [smem:$0x3FFE];
	[sflag:s23] =	ssyncadd.s32 $0xFFFFFFFF  }
0xa5: {  	s26 =	simm.s32 $execute0_lowered;
	[smem:$0x3FD2] =	sst s25  }
0xa6: {  	s4 =	sshll.u32 s26, $0x1;
	_ =	strace $0x80000049;
	[dreg:$0x1] =	wrdreg $0xFFFFFFFF  }
0xa7: {  	s28 =	simm.s32 $_size_execute0_lowered;
	s2 =	sadd.s32 s2, s4;
	[dreg:$0x0] =	wrdreg $0x0  }
0xa8: {  	s4 =	sshll.u32 s28, $0x1;
	[dreg:$0x2] =	wrdreg s2  }
0xa9: {  	[dreg:$0x3] =	wrdreg s4  }
0xaa: {  	[dreg:$0x4] =	wrdreg $0xC0  }
0xab: {  	_ =	task [dreg:s6], $0x5FFFF  }
0xac: {  	[dreg:$0x1] =	wrdreg $0xFFFFFFFF  }
0xad: {  	[dreg:$0x0] =	wrdreg $0x60  }
0xae: {  	[dreg:$0x2] =	wrdreg s24  }
0xaf: {  	[dreg:$0x3] =	wrdreg $0x90000  }
0xb0: {  	[dreg:$0x4] =	wrdreg $0x9  }
0xb1: {  	_ =	task.clear_ibuf [dreg:s6], $0x5FFFF;
	_ =	strace $0x90000049  }
0xb2: {  	s29 =	simm.s32 $0x9;
	_ =	strace $0x8000004B  }
0xb3: {  	_ =	swait.ge [sflag:s29], $0x1  }
0xb4: {  	[sflag:s29] =	ssyncadd.s32 $0xFFFFFFFF  }
0xb5: {  	_ =	strace $0x9000004B  }
0xb6: {  	_ =	sfence  }
0xb7: {  	s30 =	sld [smem:$0x0];
	_ =	sdelay $0x2  }
0xb8: {  	s31 =	sshll.u32 s1, $0xD;
	s1 =	sshrl.u32 s1, $0x2  }
0xb9: {  	s3 =	sand.u32 $0x4000, s31;
	s1 =	sadd.s32 s1, s30  }
0xba: {  	s0 =	sor.u32 s3, s0;
	s1 =	sshll.u32 s1, $0x11  }
0xbb: {  	s0 =	sor.u32 s1, s0  }
0xbc: {  	s0 =	sadd.s32 $0x8F2B, s0  }
0xbd: {  	[sflag:s0] =	ssyncadd.remote.s32 $0x1  }
0xbe: {  	_ =	sfence.sel $0xFFFF  }
0xbf: {  	[dreg:$0x0] =	wrdreg $0xFFFFFFFF;
	(pc) =	sbr.abs _section_cstart, $3  }
0xc0: {  	[dreg:$0x1] =	wrdreg $0xFFFFFFFF  }
0xc1: {  	_ =	task.clear_ibuf [dreg:s6], $0x2FFFF;
	_ =	strace $0x9FFFFFFF  }
0xc2: {  	(tm) =	ssettm $0x7FFFFFFF  }
0xc3: {  	_ =	shalt  }
tec
execute0_lowered:
.L_overlay_start_1:
0x0: {  	(tag) =	ssettag $0x1  }
0x1: {  	s4 =	rddreg [dreg:$0x0]  }
0x2: {  	s2 =	rddreg [dreg:$0x1];
	s3 =	srdreg.scid  }
0x3: {  	s0 =	rddreg [dreg:$0x2];
	s1 =	stileid.u32  }
0x4: {  	s18 =	simm.s32 $0x4000;
	s19 =	simm.s32 $0x6800;
	s20 =	simm.s32 $0x1  }
0x5: {  	s21 =	simm.s32 $0x50;
	s22 =	simm.s32 $0x2;
	s7 =	smul.u32 $0x14000, s1  }
0x6: {  	s23 =	simm.s32 $0x3E00;
	s24 =	simm.s32 $0x0;
	s9 =	smul.u32 $0x50000, s1  }
0x7: {  	s12 =	sand.u32 $0x1, s3;
	s3 =	simm.s32 $0x0;
	s15 =	smul.u32 $0x4E200, s1  }
0x8: {  	s5 =	sshll.u32 s1, $0x1;
	s14 =	sadd.s32 $0x511800, s4;
	s6 =	smul.u32 $0x140000, s12  }
0x9: {  	[smem:$0x7FF] =	sst s3;
	s5 =	sor.u32 s12, s5;
	s29 =	ssub.s32 $0x2, s12  }
0xa: {  	s16 =	smul.u32 $0x27100, s12;
	_ =	strace $0x8000004A;
	s8 =	sshll.u32 s5, $0xB  }
0xb: {  	s30 =	sshrl.u32 s29, $0x1;
	s5 =	smul.u32 $0x27100, s5;
	s31 =	sshrl.u32 s9, $0x2  }
0xc: {  	s17 =	sadd.s32 s15, s14;
	s8 =	sadd.s32 s8, s4;
	s6 =	sadd.s32 s7, s6  }
0xd: {  	s10 =	ssub.s32 s29, s30;
	s7 =	sadd.s32 s31, s2;
	s16 =	sadd.s32 s16, s17  }
0xe: {  	s17 =	simm.s32 $0x3;
	s6 =	sshrl.u32 s6, $0x3;
	s5 =	sadd.s32 s14, s5  }
0xf: {  	s9 =	sadd.s32 $0x2800, s7;
	s11 =	sadd.s32 $0x7800, s7;
	s12 =	sadd.s32 $0xA000, s7  }
0x10: {  	s13 =	sadd.s32 $0xC800, s7;
	s14 =	sadd.s32 $0xF000, s7;
	s15 =	sadd.s32 $0x11800, s7  }
0x11: {  	s16 =	sadd.s32 $0xA00, s16;
	s6 =	sadd.s32 s6, s4;
	s4 =	sadd.s32 $0x501800, s8  }
0x12: {  	v0 =	vimm.f32 $0.0e+00;
	s8 =	smax.u32 s10, $0x1;
	s10 =	sadd.s32 $0x5000, s7;
	s6 =	sadd.s32 $0x1F800, s6  }
.LBB2_1:
0x13: {  	[tilespmem:s3], [sflag:$0x3] =	stream.linear.gather [hbm4b:s4+s3], $0x3E80, $0x38;
	[tilespmem:$0x1D000] =	vst v63  }
0x14: {  	s25 =	sand.u32 $0xFE00, s3;
	s26 =	sand.u32 $0x70, s3;
	_ =	swait.ge [sflag:s17], $0x3E80  }
0x15: {  	s28 =	sshrl.u32 s25, $0x2;
	s25 =	simm.s32 $0x40;
	[sflag:s17] =	ssyncset.done $0x0  }
0x16: {  	s28 =	sor.u32 s26, s28;
	s26 =	simm.s32 $0x0;
	[sflag:s17] =	ssyncadd.s32 $0xFFFFC180  }
.LBB2_2:
0x17: {  	p0 =	sne.s32 s25, $0x9FC0  }
0x18: {  	[tilespmem:s28+$0x4000] =	vst v0;
	s26 =	sadd.s32 $0x10, s26;
	s28 =	smov.u32 s25;
	s25 =	sadd.s32 $0x40, s25  }
.Ltmp0:
0x19: {  	(pc) =	sbr.rel @p0 .LBB2_2-.Ltmp0, $4  }
0x1a: {  	_ = 	snop  }
0x1b: {  	s28 =	sand.u32 $0xFE00, s28  }
0x1c: {  	s29 =	sand.u32 $0x70, s26;
	s28 =	sshrl.u32 s28, $0x2  }
0x1d: {  	s28 =	sor.u32 s29, s28  }
0x1e: {  	[tilespmem:s28+$0x4000] =	vst v0  }
0x1f: {  	[spmem:s7] =	stream.linear.scatter [tilespmem:s18], [sflag:$0x3], $0x2800, $0x38;
	[tilespmem:$0x1D000] =	vst v63  }
0x20: {  	_ =	swait.ge [sflag:s17], $0x2800  }
0x21: {  	[sflag:s17] =	ssyncset.done $0x0  }
0x22: {  	[sflag:s17] =	ssyncadd.s32 $0xFFFFD800  }
0x23: {  	[spmem:s9] =	stream.linear.scatter [tilespmem:s18], [sflag:$0x3], $0x2800, $0x38;
	[tilespmem:$0x1D000] =	vst v63  }
0x24: {  	_ =	swait.ge [sflag:s17], $0x2800  }
0x25: {  	[sflag:s17] =	ssyncset.done $0x0  }
0x26: {  	[sflag:s17] =	ssyncadd.s32 $0xFFFFD800  }
0x27: {  	[spmem:s10] =	stream.linear.scatter [tilespmem:s18], [sflag:$0x3], $0x2800, $0x38;
	[tilespmem:$0x1D000] =	vst v63  }
0x28: {  	_ =	swait.ge [sflag:s17], $0x2800  }
0x29: {  	[sflag:s17] =	ssyncset.done $0x0  }
0x2a: {  	[sflag:s17] =	ssyncadd.s32 $0xFFFFD800  }
0x2b: {  	[spmem:s11] =	stream.linear.scatter [tilespmem:s18], [sflag:$0x3], $0x2800, $0x38;
	[tilespmem:$0x1D000] =	vst v63  }
0x2c: {  	_ =	swait.ge [sflag:s17], $0x2800  }
0x2d: {  	[sflag:s17] =	ssyncset.done $0x0  }
0x2e: {  	[sflag:s17] =	ssyncadd.s32 $0xFFFFD800  }
0x2f: {  	[spmem:s12] =	stream.linear.scatter [tilespmem:s18], [sflag:$0x3], $0x2800, $0x38;
	[tilespmem:$0x1D000] =	vst v63  }
0x30: {  	_ =	swait.ge [sflag:s17], $0x2800  }
0x31: {  	[sflag:s17] =	ssyncset.done $0x0  }
0x32: {  	[sflag:s17] =	ssyncadd.s32 $0xFFFFD800  }
0x33: {  	[spmem:s13] =	stream.linear.scatter [tilespmem:s18], [sflag:$0x3], $0x2800, $0x38;
	[tilespmem:$0x1D000] =	vst v63  }
0x34: {  	_ =	swait.ge [sflag:s17], $0x2800  }
0x35: {  	[sflag:s17] =	ssyncset.done $0x0  }
0x36: {  	[sflag:s17] =	ssyncadd.s32 $0xFFFFD800  }
0x37: {  	[spmem:s14] =	stream.linear.scatter [tilespmem:s18], [sflag:$0x3], $0x2800, $0x38;
	[tilespmem:$0x1D000] =	vst v63  }
0x38: {  	_ =	swait.ge [sflag:s17], $0x2800  }
0x39: {  	[sflag:s17] =	ssyncset.done $0x0  }
0x3a: {  	[sflag:s17] =	ssyncadd.s32 $0xFFFFD800  }
0x3b: {  	[spmem:s15] =	stream.linear.scatter [tilespmem:s18], [sflag:$0x3], $0x2800, $0x38;
	[tilespmem:$0x1D000] =	vst v63  }
0x3c: {  	_ =	swait.ge [sflag:s17], $0x2800  }
0x3d: {  	[sflag:s17] =	ssyncset.done $0x0  }
0x3e: {  	[sflag:s17] =	ssyncadd.s32 $0xFFFFD800  }
0x3f: {  	s25 =	simm.s32 $0x0;
	[bflag:$0x0] =	sbarrier.arrive $0xFFFF  }
0x40: {  	[tilespmem:s18], [sflag:$0x1] =	stream.linear.gather [hbm4b:s5+s25], $0x2800, $0x38;
	[tilespmem:$0x1D000] =	vst v63  }
0x41: {  	s29 =	sadd.s32 $0xFFFFFB00, s16  }
0x42: {  	[tilespmem:s19], [sflag:$0x2] =	stream.linear.gather [hbm4b:s29+s3], $0x2800, $0x38;
	[tilespmem:$0x1D000] =	vst v63  }
0x43: {  	_ =	swait.ge [sflag:s20], $0x2800  }
0x44: {  	[sflag:s20] =	ssyncset.done $0x0  }
0x45: {  	s30 =	simm.s32 $0x0;
	[sflag:s20] =	ssyncadd.s32 $0xFFFFD800  }
0x46: {  	[spmem:s2] =	stream.indirect.scatter.add.f32 [tilespmem:s18], [sflag:$0x3], $0x80, s30, s21, $0xb8;
	[tilespmem:$0x1D000] =	vst v63  }
0x47: {  	_ =	swait.ge [sflag:s17], $0x2800  }
0x48: {  	[sflag:s17] =	ssyncset.done $0x0  }
0x49: {  	[sflag:s17] =	ssyncadd.s32 $0xFFFFD800  }
0x4a: {  	[tilespmem:s18], [sflag:$0x1] =	stream.linear.gather [hbm4b:s16+s3], $0x2800, $0x38;
	[tilespmem:$0x1D000] =	vst v63  }
0x4b: {  	_ =	swait.ge [sflag:s22], $0x2800  }
0x4c: {  	[sflag:s22] =	ssyncset.done $0x0  }
0x4d: {  	s31 =	simm.s32 $0x80;
	[sflag:s22] =	ssyncadd.s32 $0xFFFFD800  }
0x4e: {  	[spmem:s2] =	stream.indirect.scatter.add.f32 [tilespmem:s19], [sflag:$0x3], $0x80, s31, s21, $0xb8;
	[tilespmem:$0x1D000] =	vst v63  }
0x4f: {  	s26 =	simm.s32 $0x400;
	_ =	swait.ge [sflag:s17], $0x2800  }
0x50: {  	s28 =	simm.s32 $0x800;
	s25 =	sadd.s32 $0xA00, s16;
	[sflag:s17] =	ssyncset.done $0x0  }
.LBB2_4:
0x51: {  	p0 =	sne.s32 s28, $0xF400;
	s29 =	sadd.s32 $0xFFFFFB00, s25;
	[sflag:s17] =	ssyncadd.s32 $0xFFFFD800  }
0x52: {  	[tilespmem:s19], [sflag:$0x2] =	stream.linear.gather [hbm4b:s29+s3], $0x2800, $0x38;
	[tilespmem:$0x1D000] =	vst v63  }
0x53: {  	s29 =	smov.u32 s28;
	s28 =	sadd.s32 $0x400, s28;
	_ =	swait.ge [sflag:s20], $0x2800  }
0x54: {  	[sflag:s20] =	ssyncset.done $0x0  }
0x55: {  	s30 =	sshra.s32 s26, $0x2;
	s26 =	smov.u32 s29;
	[sflag:s20] =	ssyncadd.s32 $0xFFFFD800  }
0x56: {  	[spmem:s2] =	stream.indirect.scatter.add.f32 [tilespmem:s18], [sflag:$0x3], $0x80, s30, s21, $0xb8;
	[tilespmem:$0x1D000] =	vst v63  }
0x57: {  	_ =	swait.ge [sflag:s17], $0x2800  }
0x58: {  	[sflag:s17] =	ssyncset.done $0x0  }
0x59: {  	[sflag:s17] =	ssyncadd.s32 $0xFFFFD800  }
0x5a: {  	[tilespmem:s18], [sflag:$0x1] =	stream.linear.gather [hbm4b:s25+s3], $0x2800, $0x38;
	[tilespmem:$0x1D000] =	vst v63  }
0x5b: {  	_ =	swait.ge [sflag:s22], $0x2800  }
.Ltmp1:
0x5c: {  	[sflag:s22] =	ssyncset.done $0x0;
	(pc) =	sbr.rel @p0 .LBB2_4-.Ltmp1, $4  }
0x5d: {  	s29 =	sadd.s32 $0x80, s30;
	[sflag:s22] =	ssyncadd.s32 $0xFFFFD800  }
0x5e: {  	[spmem:s2] =	stream.indirect.scatter.add.f32 [tilespmem:s19], [sflag:$0x3], $0x80, s29, s21, $0xb8;
	[tilespmem:$0x1D000] =	vst v63  }
0x5f: {  	_ =	swait.ge [sflag:s17], $0x2800  }
0x60: {  	s25 =	sadd.s32 $0xA00, s25;
	[sflag:s17] =	ssyncset.done $0x0  }
0x61: {  	s28 =	sadd.s32 $0xFFFFFB00, s25;
	[sflag:s17] =	ssyncadd.s32 $0xFFFFD800  }
0x62: {  	[tilespmem:s19], [sflag:$0x2] =	stream.linear.gather [hbm4b:s28+s3], $0x2800, $0x38;
	[tilespmem:$0x1D000] =	vst v63  }
0x63: {  	_ =	swait.ge [sflag:s20], $0x2800  }
0x64: {  	[sflag:s20] =	ssyncset.done $0x0  }
0x65: {  	s26 =	sshra.s32 s26, $0x2;
	[sflag:s20] =	ssyncadd.s32 $0xFFFFD800  }
0x66: {  	[spmem:s2] =	stream.indirect.scatter.add.f32 [tilespmem:s18], [sflag:$0x3], $0x80, s26, s21, $0xb8;
	[tilespmem:$0x1D000] =	vst v63  }
0x67: {  	_ =	swait.ge [sflag:s17], $0x2800  }
0x68: {  	[sflag:s17] =	ssyncset.done $0x0  }
0x69: {  	[sflag:s17] =	ssyncadd.s32 $0xFFFFD800  }
0x6a: {  	[tilespmem:s18], [sflag:$0x1] =	stream.linear.gather [hbm4b:s25+s3], $0x2800, $0x38;
	[tilespmem:$0x1D000] =	vst v63  }
0x6b: {  	_ =	swait.ge [sflag:s22], $0x2800  }
0x6c: {  	[sflag:s22] =	ssyncset.done $0x0  }
0x6d: {  	s29 =	sadd.s32 $0x80, s26;
	[sflag:s22] =	ssyncadd.s32 $0xFFFFD800  }
0x6e: {  	[spmem:s2] =	stream.indirect.scatter.add.f32 [tilespmem:s19], [sflag:$0x3], $0x80, s29, s21, $0xb8;
	[tilespmem:$0x1D000] =	vst v63  }
0x6f: {  	_ =	swait.ge [sflag:s17], $0x2800  }
0x70: {  	[sflag:s17] =	ssyncset.done $0x0  }
0x71: {  	[sflag:s17] =	ssyncadd.s32 $0xFFFFD800  }
0x72: {  	_ =	swait.ge [sflag:s20], $0x2800  }
0x73: {  	[sflag:s20] =	ssyncset.done $0x0  }
0x74: {  	[sflag:s20] =	ssyncadd.s32 $0xFFFFD800  }
0x75: {  	[spmem:s2] =	stream.indirect.scatter.add.f32 [tilespmem:s18], [sflag:$0x3], $0x80, s23, s21, $0xb8;
	[tilespmem:$0x1D000] =	vst v63  }
0x76: {  	_ =	swait.ge [sflag:s17], $0x2800  }
0x77: {  	s30 =	sshll.u32 s1, $0x6;
	s24 =	sadd.s32 $0x1, s24;
	[sflag:s17] =	ssyncset.done $0x0  }
0x78: {  	s31 =	sshrl.u32 s7, $0x3;
	p0 =	sne.s32 s24, s8;
	[sflag:s17] =	ssyncadd.s32 $0xFFFFD800  }
.Ltmp2:
0x79: {  	s25 =	sor.u32 $0x1C03, s30;
	[bflag:$0x0] =	sbarrier.arrive $0xFFFF;
	(pc) =	sbr.rel @p0 .LBB2_1-.Ltmp2, $4  }
0x7a: {  	[hbm:s6], [sflag:s25] =	dma.local [spmem:s31], $0x2800  }
0x7b: {  	_ =	swait.ge [sflag:s17], $0x2800  }
0x7c: {  	[sflag:s17] =	ssyncset.done $0x0  }
0x7d: {  	[sflag:s17] =	ssyncadd.s32 $0xFFFFD800  }
0x7e: {  	_ =	sfence.sel $0x180000  }
0x7f: {  	[bflag:$0x0] =	sbarrier.arrive $0xFFFF  }
0x80: {  	p0 =	sne.s32 s1, $0x0;
	_ =	strace $0x9000004A  }
0x81: {  	s0 =	sadd.s32 @!p0 $0x100000, s0;
	[bflag:$0x2] =	sbarrier.arrive $0xFFFF  }
0x82: {  	[sflag:s0] =	ssyncadd.tile.s32 @!p0 $0x1;
	_ =	shalt  }
.Lfunc_end2:
_tile_overlayer_lowered:
.L_overlay_start_2:
0x83: {  	(tag) =	ssettag $0x2  }
0x84: {  	s0 =	rddreg [dreg:$0x0];
	s2 =	stileid.u32  }
0x85: {  	s1 =	rddreg [dreg:$0x1];
	p0 =	sne.s32 s2, $0x0  }
0x86: {  	s3 =	rddreg [dreg:$0x2];
	[bflag:$0x3] =	sbarrier.arrive $0xFFFF;
	s2 =	simm.s32 @!p0 $0x1C03  }
0x87: {  	[timem:s3], [sflag:s2] =	dma.local @!p0 [hbm:s0], s1  }
0x88: {  	s0 =	simm.s32 @!p0 $0x3  }
0x89: {  	_ =	swait.ge @!p0 [sflag:s0], s1  }
0x8a: {  	s1 =	ssub.s32 @!p0 $0x0, s1;
	[sflag:s0] =	ssyncset.done @!p0 $0x0  }
0x8b: {  	[sflag:s0] =	ssyncadd.s32 @!p0 s1  }
0x8c: {  	[bflag:$0x3] =	sbarrier.arrive $0xFFFF  }
0x8d: {  	_ =	shalt  }

// kernel: kernel.7.cloned.1.call-start
scs
__scs_entry_jumppad:
0x0: {  	(pc) =	sbr.rel $0x88, $3  }
0x1: {  	(tag) =	ssettag $0x0;
	lr =	simm.s32 $0x1  }
0x2: {  	[smem:$0x3F94] =	sst lr;
	_ =	strace $0xD0000000  }
0x3: {  	_ = 	snop  }
0x4: {  	_ = 	snop  }
0x5: {  	_ = 	snop  }
0x6: {  	_ = 	snop  }
0x7: {  	_ = 	snop  }
__scs_overlays_trampoline_lowered:
0x8: {  	[smem:$0x3FA3] =	sst s0  }
0x9: {  	[smem:$0x3FA4] =	sst s1  }
0xa: {  	[smem:$0x3FA5] =	sst s2  }
0xb: {  	[smem:$0x3FA6] =	sst s3  }
0xc: {  	[smem:$0x3FA7] =	sst s4  }
0xd: {  	[smem:$0x3FA8] =	sst s5  }
0xe: {  	[smem:$0x3FA9] =	sst s6  }
0xf: {  	[smem:$0x3FAA] =	sst s7  }
0x10: {  	[smem:$0x3FAB] =	sst s8  }
0x11: {  	[smem:$0x3FAC] =	sst s9;
	s0 =	simm.s32 @!p0 $0x0  }
0x12: {  	s1 =	sld [smem:$0x3F92];
	s0 =	simm.s32 @p0 $0x1  }
0x13: {  	[smem:$0x3FAD] =	sst s0;
	s0 =	simm.s32 @!p1 $0x0  }
0x14: {  	s2 =	sld [smem:$0x3F91];
	s0 =	simm.s32 @p1 $0x1  }
0x15: {  	[smem:$0x3FAE] =	sst s0;
	s0 =	simm.s32 @!p2 $0x0  }
0x16: {  	s3 =	sld [smem:$0x3FDB];
	s0 =	simm.s32 @p2 $0x1  }
0x17: {  	s4 =	simm.s32 $0x1BF5;
	[smem:$0x3FB0] =	sst s0  }
0x18: {  	s0 =	sld [smem:$0x3F93];
	_ =	swait.ge [sflag:s4], $0x0  }
0x19: {  	s7 =	sld [smem:$0x3F94]  }
0x1a: {  	s8 =	sadd.s32 $0xFFFFE003, lr  }
0x1b: {  	s9 =	sadd.s32 $0xFFFFFEF7, lr;
	s5 =	simm.s32 $0xFFFFFFFF;
	p2 =	slt.u32 s8, $0xFFFFF086  }
0x1c: {  	p1 =	slt.u32 s9, $0xF7A;
	s5 =	simm.s32 @!p2 $0x0  }
0x1d: {  	s5 =	simm.s32 @p1 $0x1;
	p0 =	seq.s32 s7, s2  }
0x1e: {  	s7 =	smul.u32 @!p0 $0xF7A, s2;
	p2 =	seq.s32 @!p0 s5, $0x0  }
0x1f: {  	s9 =	smul.u32 $0xF7A, s1;
	s8 =	simm.s32 @!p0 $0x1BF5;
	p2 =	por !p2, p0  }
0x20: {  	[sflag:s8] =	ssyncset.s32 @!p0 $0xFFFFF086;
	s6 =	sadd.s32 @!p0 s3, s7;
	s7 =	simm.s32 @!p0 $0x108  }
0x21: {  	s3 =	sadd.s32 s3, s9;
	s6 =	sadd.s32 @!p0 $0x88, s6;
	s7 =	simm.s32 @p2 $0x1082  }
0x22: {  	[simem:s7], [sflag:s8] =	dma.local @!p0 [hbm:s6], $0xF7A  }
0x23: {  	s9 =	sor.u32 $0xD0000000, s2;
	s6 =	simm.s32 $0x108;
	_ =	swait.ge @!p0 [sflag:s8], $0x0  }
0x24: {  	s3 =	sadd.s32 $0x88, s3;
	s6 =	simm.s32 @!p1 $0x1082;
	[sflag:s4] =	ssyncset.s32 $0xFFFFF086  }
0x25: {  	[simem:s6], [sflag:s4] =	dma.local [hbm:s3], $0xF7A  }
0x26: {  	[smem:$0x3F94] =	sst s1;
	(tag) =	ssettag s2;
	_ =	strace s9  }
0x27: {  	s1 =	sld [smem:$0x3FA4]  }
0x28: {  	s2 =	sld [smem:$0x3FA5]  }
0x29: {  	s4 =	sld [smem:$0x3FA7]  }
0x2a: {  	p0 =	seq.s32 s5, $0x0;
	s5 =	sld [smem:$0x3FA8]  }
0x2b: {  	s6 =	sld [smem:$0x3FA9]  }
0x2c: {  	s7 =	sld [smem:$0x3FAA]  }
0x2d: {  	s3 =	simm.s32 $0x108;
	s8 =	sld [smem:$0x3FAB]  }
0x2e: {  	s3 =	simm.s32 @!p0 $0x1082;
	s9 =	sld [smem:$0x3FAC]  }
0x2f: {  	lr =	sadd.s32 s0, s3;
	s0 =	sld [smem:$0x3FA3]  }
0x30: {  	s3 =	sld [smem:$0x3FA6]  }
0x31: {  	[smem:$0x3FAF] =	sst s10  }
0x32: {  	s10 =	sld [smem:$0x3FAD];
	_ =	sdelay $0x3  }
0x33: {  	p0 =	seq.s32 s10, $0x1;
	s10 =	sld [smem:$0x3FAF];
	_ =	sdelay $0x3  }
0x34: {  	[smem:$0x3FAF] =	sst s10  }
0x35: {  	s10 =	sld [smem:$0x3FAE];
	_ =	sdelay $0x3  }
0x36: {  	p1 =	seq.s32 s10, $0x1;
	s10 =	sld [smem:$0x3FAF];
	_ =	sdelay $0x3  }
0x37: {  	[smem:$0x3FAF] =	sst s10  }
0x38: {  	s10 =	sld [smem:$0x3FB0]  }
0x39: {  	_ = 	snop;
	(pc) =	sbr.ind lr, $3  }
0x3a: {  	_ = 	snop  }
0x3b: {  	_ = 	snop  }
0x3c: {  	p2 =	seq.s32 s10, $0x1;
	s10 =	sld [smem:$0x3FAF]  }
0x3d: {  	_ =	shalt  }
0x3e: {  	_ =	shalt  }
0x3f: {  	_ =	shalt  }
0x40: {  	_ =	shalt  }
0x41: {  	_ =	shalt  }
0x42: {  	_ =	shalt  }
0x43: {  	_ =	shalt  }
0x44: {  	_ =	shalt  }
0x45: {  	_ =	shalt  }
0x46: {  	_ =	shalt  }
0x47: {  	_ =	shalt  }
0x48: {  	_ =	shalt  }
0x49: {  	_ =	shalt  }
0x4a: {  	_ =	shalt  }
0x4b: {  	_ =	shalt  }
0x4c: {  	_ =	shalt  }
0x4d: {  	_ =	shalt  }
0x4e: {  	_ =	shalt  }
0x4f: {  	_ =	shalt  }
0x50: {  	_ =	shalt  }
0x51: {  	_ =	shalt  }
0x52: {  	_ =	shalt  }
0x53: {  	_ =	shalt  }
0x54: {  	_ =	shalt  }
0x55: {  	_ =	shalt  }
0x56: {  	_ =	shalt  }
0x57: {  	_ =	shalt  }
0x58: {  	_ =	shalt  }
0x59: {  	_ =	shalt  }
0x5a: {  	_ =	shalt  }
0x5b: {  	_ =	shalt  }
0x5c: {  	_ =	shalt  }
0x5d: {  	_ =	shalt  }
0x5e: {  	_ =	shalt  }
0x5f: {  	_ =	shalt  }
0x60: {  	_ =	shalt  }
0x61: {  	_ =	shalt  }
0x62: {  	_ =	shalt  }
0x63: {  	_ =	shalt  }
0x64: {  	_ =	shalt  }
0x65: {  	_ =	shalt  }
0x66: {  	_ =	shalt  }
0x67: {  	_ =	shalt  }
0x68: {  	_ =	shalt  }
0x69: {  	_ =	shalt  }
0x6a: {  	_ =	shalt  }
0x6b: {  	_ =	shalt  }
0x6c: {  	_ =	shalt  }
0x6d: {  	_ =	shalt  }
0x6e: {  	_ =	shalt  }
0x6f: {  	_ =	shalt  }
0x70: {  	_ =	shalt  }
0x71: {  	_ =	shalt  }
0x72: {  	_ =	shalt  }
0x73: {  	_ =	shalt  }
0x74: {  	_ =	shalt  }
0x75: {  	_ =	shalt  }
0x76: {  	_ =	shalt  }
0x77: {  	_ =	shalt  }
0x78: {  	_ =	shalt  }
0x79: {  	_ =	shalt  }
0x7a: {  	_ =	shalt  }
0x7b: {  	_ =	shalt  }
0x7c: {  	_ =	shalt  }
0x7d: {  	_ =	shalt  }
0x7e: {  	_ =	shalt  }
0x7f: {  	_ =	shalt  }
0x80: {  	_ =	shalt  }
0x81: {  	_ =	shalt  }
0x82: {  	_ =	shalt  }
0x83: {  	_ =	shalt  }
0x84: {  	_ =	shalt  }
0x85: {  	_ =	shalt  }
0x86: {  	_ =	shalt  }
0x87: {  	_ =	shalt  }
.Lfunc_end0:
.L_simem_size_0:
called_computation_lowered:
.L_overlay_start_0:
0x88: {  	s2 =	sld [smem:$0x3FD9]  }
0x89: {  	s3 =	sld [smem:$0x3FFE];
	_ =	sdelay $0x1  }
0x8a: {  	s1 =	srdreg.scid  }
0x8b: {  	s0 =	sand.u32 $0x1, s1  }
0x8c: {  	s14 =	sshll.u32 s0, $0xA;
	s2 =	sadd.s32 s3, s2  }
0x8d: {  	s2 =	sadd.s32 s2, s14  }
0x8e: {  	[smem:$0x3FBB] =	sst s2  }
0x8f: {  	_ = 	snop  }
0x90: {  	s2 =	sld [smem:$0x3FD0];
	_ =	sdelay $0x2  }
0x91: {  	s15 =	simm.s32 $0xA;
	s4 =	simm.s32 $0x10  }
0x92: {  	[smem:s4], [sflag:s15] =	dma.local [hbm:s2], $0x1  }
0x93: {  	_ =	swait.eq [sflag:s15], $0x1  }
0x94: {  	[sflag:s15] =	ssyncset.done $0x0  }
0x95: {  	[sflag:s15] =	ssyncadd.s32 $0xFFFFFFFF  }
0x96: {  	s16 =	sld [smem:$0x10];
	(tm) =	ssettm $0x1  }
0x97: {  	s17 =	sld [smem:$0x3FFB];
	_ =	sdelay $0x3  }
0x98: {  	_ =	strace s17  }
0x99: {  	s3 =	sld [smem:$0x3FFC];
	_ =	sdelay $0x3  }
0x9a: {  	_ =	strace s3  }
0x9b: {  	s3 =	sld [smem:$0x3FFD];
	_ =	sdelay $0x3  }
0x9c: {  	_ =	strace s3  }
0x9d: {  	_ =	strace $0x8FFFFFFF  }
0x9e: {  	s18 =	sld [smem:$0x3FDB];
	_ =	sdelay $0x1  }
0x9f: {  	s19 =	simm.s32 $_scs_section_size  }
0xa0: {  	s5 =	simm.s32 $_size__tile_overlayer_lowered;
	s6 =	simm.s32 $_tile_overlayer_lowered  }
0xa1: {  	s22 =	simm.s32 $0x1BFF;
	s21 =	sshll.u32 s6, $0x1;
	s3 =	sadd.s32 s19, s18  }
0xa2: {  	s7 =	simm.s32 $0x0;
	s20 =	sshll.u32 s5, $0x1;
	s5 =	sadd.s32 s21, s3  }
0xa3: {  	[timem:s7], [sflag:s22] =	dma.local [hbm:s5], s20  }
0xa4: {  	_ =	swait.ge [sflag:s22], s20  }
0xa5: {  	s4 =	ssub.s32 $0x0, s20;
	[sflag:s22] =	ssyncset.done $0x0  }
0xa6: {  	[sflag:s22] =	ssyncadd.s32 s4;
	_ =	sdelay $0x1  }
0xa7: {  	s23 =	simm.s32 $0x1B8B  }
0xa8: {  	_ =	swait.ge [sflag:s23], $0x1  }
0xa9: {  	[sflag:s23] =	ssyncset.done $0x0  }
0xaa: {  	s25 =	simm.s32 $0x1B8E;
	s24 =	sld [smem:$0x3FFE];
	[sflag:s23] =	ssyncadd.s32 $0xFFFFFFFF  }
0xab: {  	s26 =	simm.s32 $execute0_lowered;
	[smem:$0x3FD2] =	sst s25  }
0xac: {  	s5 =	sshll.u32 s26, $0x1;
	_ =	strace $0x80000046;
	[dreg:$0x1] =	wrdreg $0xFFFFFFFF  }
0xad: {  	s28 =	simm.s32 $_size_execute0_lowered;
	s3 =	sadd.s32 s3, s5;
	[dreg:$0x0] =	wrdreg $0x0  }
0xae: {  	s5 =	sshll.u32 s28, $0x1;
	[dreg:$0x2] =	wrdreg s3  }
0xaf: {  	[dreg:$0x3] =	wrdreg s5  }
0xb0: {  	[dreg:$0x4] =	wrdreg $0xC0  }
0xb1: {  	_ =	task [dreg:s7], $0x5FFFF  }
0xb2: {  	[dreg:$0x1] =	wrdreg $0xFFFFFFFF  }
0xb3: {  	[dreg:$0x0] =	wrdreg $0x60  }
0xb4: {  	[dreg:$0x2] =	wrdreg s16  }
0xb5: {  	[dreg:$0x3] =	wrdreg s24  }
0xb6: {  	[dreg:$0x4] =	wrdreg $0x9  }
0xb7: {  	_ =	task.clear_ibuf [dreg:s7], $0x5FFFF;
	_ =	strace $0x90000046  }
0xb8: {  	s29 =	simm.s32 $0x9;
	_ =	strace $0x80000048  }
0xb9: {  	_ =	swait.ge [sflag:s29], $0x1  }
0xba: {  	[sflag:s29] =	ssyncadd.s32 $0xFFFFFFFF  }
0xbb: {  	_ =	strace $0x90000048  }
0xbc: {  	_ =	sfence  }
0xbd: {  	s30 =	sld [smem:$0x0];
	_ =	sdelay $0x2  }
0xbe: {  	s31 =	sshll.u32 s1, $0xD;
	s1 =	sshrl.u32 s1, $0x2  }
0xbf: {  	s3 =	sand.u32 $0x4000, s31;
	s1 =	sadd.s32 s1, s30  }
0xc0: {  	s0 =	sor.u32 s3, s0;
	s1 =	sshll.u32 s1, $0x11  }
0xc1: {  	s0 =	sor.u32 s1, s0  }
0xc2: {  	s0 =	sadd.s32 $0x8F2B, s0  }
0xc3: {  	[sflag:s0] =	ssyncadd.remote.s32 $0x1  }
0xc4: {  	_ =	sfence.sel $0xFFFF  }
0xc5: {  	[dreg:$0x0] =	wrdreg $0xFFFFFFFF;
	(pc) =	sbr.abs _section_cstart, $3  }
0xc6: {  	[dreg:$0x1] =	wrdreg $0xFFFFFFFF  }
0xc7: {  	_ =	task.clear_ibuf [dreg:s7], $0x2FFFF;
	_ =	strace $0x9FFFFFFF  }
0xc8: {  	(tm) =	ssettm $0x7FFFFFFF  }
0xc9: {  	_ =	shalt  }
tec
execute0_lowered:
.L_overlay_start_1:
0x0: {  	(tag) =	ssettag $0x1  }
0x1: {  	s1 =	rddreg [dreg:$0x0]  }
0x2: {  	s4 =	rddreg [dreg:$0x1]  }
0x3: {  	s0 =	rddreg [dreg:$0x2];
	s3 =	simm.s32 $0x0  }
0x4: {  	s5 =	srdreg.scid;
	s2 =	stileid.u32;
	s12 =	simm.s32 $0x1  }
0x5: {  	s13 =	simm.s32 $0x2;
	s14 =	simm.s32 $0x0;
	[smem:$0x7FF] =	sst s3  }
0x6: {  	s5 =	sand.u32 $0x1, s5;
	s6 =	sshll.u32 s2, $0x1;
	s8 =	sadd.s32 $0x1F800, s4  }
0x7: {  	s10 =	smul.u32 $0x4E200, s2;
	_ =	strace $0x80000047;
	s6 =	sor.u32 s5, s6  }
0x8: {  	s30 =	ssub.s32 $0x2, s5;
	s11 =	smul.u32 $0x27100, s5;
	s7 =	sshll.u32 s6, $0xB  }
0x9: {  	s6 =	smul.u32 $0x138800, s6;
	s9 =	sshrl.u32 s30, $0x1;
	s31 =	sadd.s32 s10, s8  }
0xa: {  	s10 =	simm.s32 $0x4000;
	s7 =	sadd.s32 s7, s4;
	s9 =	ssub.s32 s30, s9  }
0xb: {  	s6 =	sshrl.u32 s6, $0x3;
	s4 =	sadd.s32 $0xD200, s7;
	s7 =	sadd.s32 s11, s31  }
0xc: {  	s11 =	simm.s32 $0x6800;
	s6 =	sadd.s32 s8, s6;
	s8 =	simm.s32 $0x3  }
0xd: {  	s5 =	sadd.s32 $0x26C00, s6;
	s6 =	smax.u32 s9, $0x1;
	s9 =	simm.s32 $0x50  }
.LBB2_1:
0xe: {  	[tilespmem:s3], [sflag:$0x3] =	stream.linear.gather [hbm4b:s4+s3], $0x3E80, $0x38;
	[tilespmem:$0x9000] =	vst v63  }
0xf: {  	_ =	swait.ge [sflag:s8], $0x3E80  }
0x10: {  	[sflag:s8] =	ssyncset.done $0x0  }
0x11: {  	[sflag:s8] =	ssyncadd.s32 $0xFFFFC180  }
0x12: {  	[tilespmem:s10], [sflag:$0x1] =	stream.indirect.gather [hbm4b:s1+s9], $0x80, s3, s9, $0xb8;
	[tilespmem:$0x9000] =	vst v63  }
0x13: {  	s15 =	simm.s32 $0x80  }
0x14: {  	[tilespmem:s11], [sflag:$0x2] =	stream.indirect.gather [hbm4b:s1+s9], $0x80, s15, s9, $0xb8;
	[tilespmem:$0x9000] =	vst v63  }
0x15: {  	_ =	swait.ge [sflag:s12], $0x2800  }
0x16: {  	[sflag:s12] =	ssyncset.done $0x0  }
0x17: {  	s31 =	sadd.s32 $0x0, s7;
	[sflag:s12] =	ssyncadd.s32 $0xFFFFD800  }
0x18: {  	[hbm4b:s31+s3] =	stream.linear.scatter [tilespmem:s10], [sflag:$0x3], $0x2800, $0x38;
	[tilespmem:$0x9000] =	vst v63  }
0x19: {  	_ =	swait.ge [sflag:s8], $0x2800  }
0x1a: {  	[sflag:s8] =	ssyncset.done $0x0  }
0x1b: {  	s16 =	simm.s32 $0x100;
	[sflag:s8] =	ssyncadd.s32 $0xFFFFD800  }
0x1c: {  	[tilespmem:s10], [sflag:$0x1] =	stream.indirect.gather [hbm4b:s1+s9], $0x80, s16, s9, $0xb8;
	[tilespmem:$0x9000] =	vst v63  }
0x1d: {  	_ =	swait.ge [sflag:s13], $0x2800  }
0x1e: {  	[sflag:s13] =	ssyncset.done $0x0  }
0x1f: {  	s15 =	sadd.s32 $0x500, s31;
	[sflag:s13] =	ssyncadd.s32 $0xFFFFD800  }
0x20: {  	[hbm4b:s15+s3] =	stream.linear.scatter [tilespmem:s11], [sflag:$0x3], $0x2800, $0x38;
	[tilespmem:$0x9000] =	vst v63  }
0x21: {  	s17 =	simm.s32 $0x1400;
	_ =	swait.ge [sflag:s8], $0x2800  }
0x22: {  	s16 =	simm.s32 $0xA00;
	s15 =	simm.s32 $0x200;
	[sflag:s8] =	ssyncset.done $0x0  }
.LBB2_2:
0x23: {  	p0 =	sne.s32 s17, $0x26200;
	s18 =	sadd.s32 $0xFFFFFF80, s15;
	[sflag:s8] =	ssyncadd.s32 $0xFFFFD800  }
0x24: {  	[tilespmem:s11], [sflag:$0x2] =	stream.indirect.gather [hbm4b:s1+s9], $0x80, s18, s9, $0xb8;
	[tilespmem:$0x9000] =	vst v63  }
0x25: {  	s18 =	smov.u32 s17;
	s17 =	sadd.s32 $0xA00, s17;
	_ =	swait.ge [sflag:s12], $0x2800  }
0x26: {  	[sflag:s12] =	ssyncset.done $0x0  }
0x27: {  	s19 =	sadd.s32 s16, s7;
	s16 =	smov.u32 s18;
	[sflag:s12] =	ssyncadd.s32 $0xFFFFD800  }
0x28: {  	[hbm4b:s19+s3] =	stream.linear.scatter [tilespmem:s10], [sflag:$0x3], $0x2800, $0x38;
	[tilespmem:$0x9000] =	vst v63  }
0x29: {  	_ =	swait.ge [sflag:s8], $0x2800  }
0x2a: {  	[sflag:s8] =	ssyncset.done $0x0  }
0x2b: {  	[sflag:s8] =	ssyncadd.s32 $0xFFFFD800  }
0x2c: {  	[tilespmem:s10], [sflag:$0x1] =	stream.indirect.gather [hbm4b:s1+s9], $0x80, s15, s9, $0xb8;
	[tilespmem:$0x9000] =	vst v63  }
0x2d: {  	_ =	swait.ge [sflag:s13], $0x2800  }
.Ltmp0:
0x2e: {  	[sflag:s13] =	ssyncset.done $0x0;
	(pc) =	sbr.rel @p0 .LBB2_2-.Ltmp0, $4  }
0x2f: {  	s18 =	sadd.s32 $0x500, s19;
	[sflag:s13] =	ssyncadd.s32 $0xFFFFD800  }
0x30: {  	[hbm4b:s18+s3] =	stream.linear.scatter [tilespmem:s11], [sflag:$0x3], $0x2800, $0x38;
	[tilespmem:$0x9000] =	vst v63  }
0x31: {  	_ =	swait.ge [sflag:s8], $0x2800  }
0x32: {  	s15 =	sadd.s32 $0x100, s15;
	[sflag:s8] =	ssyncset.done $0x0  }
0x33: {  	s17 =	sadd.s32 $0xFFFFFF80, s15;
	[sflag:s8] =	ssyncadd.s32 $0xFFFFD800  }
0x34: {  	[tilespmem:s11], [sflag:$0x2] =	stream.indirect.gather [hbm4b:s1+s9], $0x80, s17, s9, $0xb8;
	[tilespmem:$0x9000] =	vst v63  }
0x35: {  	_ =	swait.ge [sflag:s12], $0x2800  }
0x36: {  	[sflag:s12] =	ssyncset.done $0x0  }
0x37: {  	s16 =	sadd.s32 s16, s7;
	[sflag:s12] =	ssyncadd.s32 $0xFFFFD800  }
0x38: {  	[hbm4b:s16+s3] =	stream.linear.scatter [tilespmem:s10], [sflag:$0x3], $0x2800, $0x38;
	[tilespmem:$0x9000] =	vst v63  }
0x39: {  	_ =	swait.ge [sflag:s8], $0x2800  }
0x3a: {  	[sflag:s8] =	ssyncset.done $0x0  }
0x3b: {  	[sflag:s8] =	ssyncadd.s32 $0xFFFFD800  }
0x3c: {  	[tilespmem:s10], [sflag:$0x1] =	stream.indirect.gather [hbm4b:s1+s9], $0x80, s15, s9, $0xb8;
	[tilespmem:$0x9000] =	vst v63  }
0x3d: {  	_ =	swait.ge [sflag:s13], $0x2800  }
0x3e: {  	[sflag:s13] =	ssyncset.done $0x0  }
0x3f: {  	s31 =	sadd.s32 $0x500, s16;
	[sflag:s13] =	ssyncadd.s32 $0xFFFFD800  }
0x40: {  	[hbm4b:s31+s3] =	stream.linear.scatter [tilespmem:s11], [sflag:$0x3], $0x2800, $0x38;
	[tilespmem:$0x9000] =	vst v63  }
0x41: {  	_ =	swait.ge [sflag:s8], $0x2800  }
0x42: {  	[sflag:s8] =	ssyncset.done $0x0  }
0x43: {  	[sflag:s8] =	ssyncadd.s32 $0xFFFFD800  }
0x44: {  	s14 =	sadd.s32 $0x1, s14;
	_ =	swait.ge [sflag:s12], $0x2800  }
0x45: {  	p0 =	sne.s32 s14, s6;
	[sflag:s12] =	ssyncset.done $0x0  }
.Ltmp1:
0x46: {  	[sflag:s12] =	ssyncadd.s32 $0xFFFFD800;
	(pc) =	sbr.rel @p0 .LBB2_1-.Ltmp1, $4  }
0x47: {  	[hbm4b:s5+s3] =	stream.linear.scatter [tilespmem:s10], [sflag:$0x3], $0x2800, $0x38;
	[tilespmem:$0x9000] =	vst v63  }
0x48: {  	_ =	swait.ge [sflag:s8], $0x2800  }
0x49: {  	[sflag:s8] =	ssyncset.done $0x0  }
0x4a: {  	[sflag:s8] =	ssyncadd.s32 $0xFFFFD800  }
0x4b: {  	_ =	sfence.sel $0x180000  }
0x4c: {  	[bflag:$0x0] =	sbarrier.arrive $0xFFFF  }
0x4d: {  	p0 =	sne.s32 s2, $0x0;
	_ =	strace $0x90000047  }
0x4e: {  	s0 =	sadd.s32 @!p0 $0x100000, s0;
	[bflag:$0x2] =	sbarrier.arrive $0xFFFF  }
0x4f: {  	[sflag:s0] =	ssyncadd.tile.s32 @!p0 $0x1;
	_ =	shalt  }
.Lfunc_end2:
_tile_overlayer_lowered:
.L_overlay_start_2:
0x50: {  	(tag) =	ssettag $0x2  }
0x51: {  	s0 =	rddreg [dreg:$0x0];
	s2 =	stileid.u32  }
0x52: {  	s1 =	rddreg [dreg:$0x1];
	p0 =	sne.s32 s2, $0x0  }
0x53: {  	s3 =	rddreg [dreg:$0x2];
	[bflag:$0x3] =	sbarrier.arrive $0xFFFF;
	s2 =	simm.s32 @!p0 $0x1C03  }
0x54: {  	[timem:s3], [sflag:s2] =	dma.local @!p0 [hbm:s0], s1  }
0x55: {  	s0 =	simm.s32 @!p0 $0x3  }
0x56: {  	_ =	swait.ge @!p0 [sflag:s0], s1  }
0x57: {  	s1 =	ssub.s32 @!p0 $0x0, s1;
	[sflag:s0] =	ssyncset.done @!p0 $0x0  }
0x58: {  	[sflag:s0] =	ssyncadd.s32 @!p0 s1  }
0x59: {  	[bflag:$0x3] =	sbarrier.arrive $0xFFFF  }
0x5a: {  	_ =	shalt  }

</sc_bundles>
